<compile_context>
chip_gen: v7x
topology: tpu7x:2x2x1
jax: 0.10.2.dev20260603
libtpu: 0.0.44.dev20260713+nightly
codegen_flags: <defaults>
</compile_context>

<pallas_src>
import functools

import jax
import jax.numpy as jnp
from jax import lax
from jax.experimental import pallas as pl
from jax.experimental.pallas import tpu as pltpu
from jax.experimental.pallas import tpu_sc as plsc

_NC = 2
_NS = 16
_NW = _NC * _NS
_LANES = 16
_EB = 128


def _sc_edge_kernel(n_nodes, n_node_pad, n_pad, n_edges, cb):
    nb = n_edges // _EB
    base_nb = nb // _NW
    extra = nb - base_nb * _NW
    n_chunks = base_nb // cb
    assert base_nb == n_chunks * cb
    chunk = cb * _EB
    n2 = 2 * n_pad

    mesh = plsc.VectorSubcoreMesh(core_axis_name="c", subcore_axis_name="s")

    edge_bufs = (
        pltpu.VMEM((chunk,), jnp.int32),
        pltpu.VMEM((chunk,), jnp.int32),
        pltpu.VMEM((cb, 4, _EB), jnp.float32),
        pltpu.VMEM((2 * chunk,), jnp.float32),
        pltpu.VMEM((2 * chunk,), jnp.float32),
        pltpu.SemaphoreType.DMA,
        pltpu.SemaphoreType.DMA,
    )

    @functools.partial(
        pl.kernel,
        mesh=mesh,
        compiler_params=pltpu.CompilerParams(needs_layout_passes=False),
        out_type=(
            jax.ShapeDtypeStruct((2 * n_edges,), jnp.float32),
            jax.ShapeDtypeStruct((2 * n_edges,), jnp.float32),
            jax.ShapeDtypeStruct((_NW * n2,), jnp.float32),
        ),
        name="sc_edges",
        scratch_types=(
            pltpu.VMEM((n_node_pad,), jnp.float32),
            pltpu.VMEM((n_node_pad,), jnp.float32),
            pltpu.VMEM((n2,), jnp.float32),
            pltpu.SemaphoreType.DMA,
        ) + edge_bufs + edge_bufs,
    )
    def sc_kernel(vre_hbm, vim_hbm, zeros_hbm, ef_hbm, s_hbm, r_hbm,
                  i_hbm, v_hbm, part_hbm,
                  vre_buf, vim_buf, acc_buf, v2_sem, *bufs):
        sets = (bufs[:7], bufs[7:])
        wid = lax.axis_index("s") * _NC + lax.axis_index("c")
        iota = lax.iota(jnp.int32, _LANES)
        start_block = wid * base_nb + jnp.minimum(wid, extra)
        total = n_chunks

        v2_d = [pltpu.async_copy(vre_hbm, vre_buf, v2_sem),
                pltpu.async_copy(vim_hbm, vim_buf, v2_sem),
                pltpu.async_copy(zeros_hbm, acc_buf, v2_sem)]

        def issue_in(c, bset):
            s_buf, r_buf, ef_buf = bset[0], bset[1], bset[2]
            bstart = start_block + c * cb
            ebase = bstart * _EB
            sem = bset[5]
            return [
                pltpu.async_copy(s_hbm.at[pl.ds(ebase, chunk)], s_buf, sem),
                pltpu.async_copy(r_hbm.at[pl.ds(ebase, chunk)], r_buf, sem),
                pltpu.async_copy(ef_hbm.at[pl.ds(bstart, cb)], ef_buf, sem),
            ]

        def issue_out(c, bset):
            iout_buf, vout_buf = bset[3], bset[4]
            bstart = start_block + c * cb
            sem = bset[6]
            return [
                pltpu.async_copy(iout_buf,
                                 i_hbm.at[pl.ds(bstart * 2 * _EB, 2 * chunk)],
                                 sem),
                pltpu.async_copy(vout_buf,
                                 v_hbm.at[pl.ds(bstart * 2 * _EB, 2 * chunk)],
                                 sem),
            ]

        def make_step(bset, nsteps):
            s_buf, r_buf, ef_buf, iout_buf, vout_buf = bset[:5]

            @plsc.parallel_loop(0, nsteps * _LANES, step=_LANES, unroll=4)
            def step(off):
                blk = off // _EB
                rem = off - blk * _EB
                s = s_buf[pl.ds(off, _LANES)]
                r = r_buf[pl.ds(off, _LANES)]
                g = ef_buf[blk, 0, pl.ds(rem, _LANES)]
                bb = ef_buf[blk, 1, pl.ds(rem, _LANES)]
                vr_re = plsc.load_gather(vre_buf, [r])
                vr_im = plsc.load_gather(vim_buf, [r])
                vs_re = plsc.load_gather(vre_buf, [s])
                vs_im = plsc.load_gather(vim_buf, [s])
                v_re = vr_re - vs_re
                v_im = vr_im - vs_im
                i_re = g * v_re - bb * v_im
                i_im = g * v_im + bb * v_re
                pos = blk * 2 * _EB + rem
                vout_buf[pl.ds(pos, _LANES)] = v_re
                vout_buf[pl.ds(pos + _EB, _LANES)] = v_im
                iout_buf[pl.ds(pos, _LANES)] = i_re
                iout_buf[pl.ds(pos + _EB, _LANES)] = i_im
                plsc.addupdate_scatter(acc_buf, [r], i_re)
                plsc.addupdate_scatter(acc_buf, [r + n_pad], i_im)
                plsc.addupdate_scatter(acc_buf, [s], -i_re)
                plsc.addupdate_scatter(acc_buf, [s + n_pad], -i_im)

        in_d = {0: issue_in(0, sets[0])}
        for d in v2_d:
            d.wait()

        out_d = {}
        for c in range(total):
            bset = sets[c % 2]
            for d in in_d.pop(c):
                d.wait()
            if c + 1 < total:
                in_d[c + 1] = issue_in(c + 1, sets[(c + 1) % 2])
            if c - 2 in out_d:
                for d in out_d.pop(c - 2):
                    d.wait()
            make_step(bset, chunk // _LANES)
            out_d[c] = issue_out(c, bset)

        for c in sorted(out_d):
            for d in out_d.pop(c):
                d.wait()

        @pl.when(wid < extra)
        def _():
            bset = sets[0]
            s_buf, r_buf, ef_buf, iout_buf, vout_buf = bset[:5]
            bstart = start_block + base_nb
            ebase = bstart * _EB
            pltpu.sync_copy(s_hbm.at[pl.ds(ebase, _EB)],
                            s_buf.at[pl.ds(0, _EB)])
            pltpu.sync_copy(r_hbm.at[pl.ds(ebase, _EB)],
                            r_buf.at[pl.ds(0, _EB)])
            pltpu.sync_copy(ef_hbm.at[pl.ds(bstart, 1)],
                            ef_buf.at[pl.ds(0, 1)])
            make_step(bset, _EB // _LANES)
            pltpu.sync_copy(iout_buf.at[pl.ds(0, 2 * _EB)],
                            i_hbm.at[pl.ds(bstart * 2 * _EB, 2 * _EB)])
            pltpu.sync_copy(vout_buf.at[pl.ds(0, 2 * _EB)],
                            v_hbm.at[pl.ds(bstart * 2 * _EB, 2 * _EB)])

        pltpu.sync_copy(acc_buf, part_hbm.at[pl.ds(wid * n2, n2)])

    return sc_kernel


def _tc_extract_kernel(n_nodes, n_node_pad, d, row_block=2048):
    grid = (n_node_pad // row_block,)

    def body(vn_ref, re_ref, im_ref):
        rows = lax.broadcasted_iota(jnp.int32, (2, d), 0)
        cols = lax.broadcasted_iota(jnp.int32, (2, d), 1)
        sel = (rows == cols).astype(jnp.float32)
        prod = lax.dot_general(sel, vn_ref[...], (((1,), (1,)), ((), ())),
                               precision=lax.Precision.HIGHEST,
                               preferred_element_type=jnp.float32)
        re_ref[...] = prod[0, :]
        im_ref[...] = prod[1, :]

    return pl.pallas_call(
        body,
        grid=grid,
        in_specs=[pl.BlockSpec((row_block, d), lambda k: (k, 0))],
        out_specs=(pl.BlockSpec((row_block,), lambda k: (k,)),
                   pl.BlockSpec((row_block,), lambda k: (k,))),
        out_shape=(
            jax.ShapeDtypeStruct((n_node_pad,), jnp.float32),
            jax.ShapeDtypeStruct((n_node_pad,), jnp.float32),
        ),
    )


def _tc_matmul_kernel(n_nodes, n_pad, d, out_dim, row_block):
    grid = (n_pad // row_block,)
    n2 = 2 * n_pad

    def body(vn_ref, parts_ref, w1_ref, w2_ref, b_ref, out_ref):
        k = pl.program_id(0)
        net_re = jnp.zeros((row_block,), jnp.float32)
        net_im = jnp.zeros((row_block,), jnp.float32)
        for w in range(_NW):
            net_re = net_re + parts_ref[pl.ds(w * n2 + k * row_block,
                                              row_block)]
            net_im = net_im + parts_ref[pl.ds(w * n2 + n_pad + k * row_block,
                                              row_block)]
        net = jnp.stack([net_re, net_im], axis=0)
        acc = jnp.dot(vn_ref[...], w1_ref[...],
                      preferred_element_type=jnp.float32)
        acc = acc + lax.dot_general(
            net, w2_ref[...], (((0,), (0,)), ((), ())),
            preferred_element_type=jnp.float32)
        acc = acc + b_ref[...]
        out_ref[...] = jnp.maximum(acc, 0.0)

    return pl.pallas_call(
        body,
        grid=grid,
        in_specs=[
            pl.BlockSpec((row_block, d), lambda k: (k, 0)),
            pl.BlockSpec((_NW * n2,), lambda k: (0,)),
            pl.BlockSpec((d, out_dim), lambda k: (0, 0)),
            pl.BlockSpec((2, out_dim), lambda k: (0, 0)),
            pl.BlockSpec((1, out_dim), lambda k: (0, 0)),
        ],
        out_specs=pl.BlockSpec((row_block, out_dim), lambda k: (k, 0)),
        out_shape=jax.ShapeDtypeStruct((n_nodes, out_dim), jnp.float32),
    )


def kernel(V_node, senders, receivers, edge_features, W, b):
    n_nodes, d = V_node.shape
    n_edges = senders.shape[0]
    de = edge_features.shape[1]
    out_dim = W.shape[1]
    nb = n_edges // _EB

    row_block = 1024
    n_pad = -(-n_nodes // row_block) * row_block

    efb = edge_features.reshape(nb, _EB, de).transpose(0, 2, 1)

    v2_re, v2_im = _tc_extract_kernel(n_nodes, n_pad, d)(V_node)

    sc = _sc_edge_kernel(n_nodes, n_pad, n_pad, n_edges, cb=26)
    zeros = jnp.zeros((2 * n_pad,), jnp.float32)
    i_blk, v_blk, parts = sc(v2_re, v2_im, zeros, efb, senders, receivers)

    I_edge = (i_blk.reshape(nb, 2, _EB).transpose(0, 2, 1)
              .reshape(n_edges, 2))
    V_edge = (v_blk.reshape(nb, 2, _EB).transpose(0, 2, 1)
              .reshape(n_edges, 2))

    tc = _tc_matmul_kernel(n_nodes, n_pad, d, out_dim, 2048)
    V_out = tc(V_node, parts, W[:d], W[d:], b.reshape(1, out_dim))
    return (V_out, I_edge, V_edge)

# --- scband reference (transcript-rebuilt; emitter-appended) ---
"""Pipeline reference for scband-kvlohm-gnnlayer-12678743458331 (READ-ONLY COPY).

The authoritative reference and input builder live on the scoring server;
editing this copy changes nothing except your own understanding.
"""

import jax, jax.numpy as jnp
import numpy as np

N = 10000
E = 320000
D = 128
DE = 4
OUT = 128


def setup_inputs(seed: int = 0) -> dict:
    key = jax.random.key(seed)
    k1, k2, k3, k4, k5, k6 = jax.random.split(key, 6)
    V_node = jax.random.normal(k1, (N, D), dtype=jnp.float32)
    senders = jax.random.randint(k2, (E,), 0, N, dtype=jnp.int32)
    receivers = jax.random.randint(k3, (E,), 0, N, dtype=jnp.int32)
    edge_features = jax.random.normal(k4, (E, DE), dtype=jnp.float32)
    # flax nn.Dense params: kernel [in_dim, out_dim], bias [out_dim]
    # in_dim = D + 2 (V_node concat with 2-dim net_current)
    W = jax.random.normal(k5, (D + 2, OUT), dtype=jnp.float32) * (1.0 / np.sqrt(D + 2))
    b = jnp.zeros((OUT,), dtype=jnp.float32)
    return {"V_node": V_node, "senders": senders, "receivers": receivers, "edge_features": edge_features, "W": W, "b": b}


def reference(V_node, senders, receivers, edge_features, W, b):
    num_nodes = V_node.shape[0]
    # KVL: edge voltages from node potentials (first 2 channels)
    V2 = V_node[..., :2]
    V_edge = V2[receivers] - V2[senders]
    # Ohm's law with complex numbers as [real, imag]
    Y_edge = edge_features[..., :2]
    G, B = Y_edge[..., 0], Y_edge[..., 1]
    V_re, V_im = V_edge[..., 0], V_edge[..., 1]
    I_re = G * V_re - B * V_im
    I_im = G * V_im + B * V_re
    I_edge = jnp.stack([I_re, I_im], axis=-1)
    # KCL: net current per node via segment_sum
    I_in = jax.ops.segment_sum(I_edge, receivers, num_segments=num_nodes)
    I_out = jax.ops.segment_sum(I_edge, senders, num_segments=num_nodes)
    net_current = I_in - I_out
    node_inputs = jnp.concatenate([V_node, net_current], axis=-1)
    V_node_out = jax.nn.relu(node_inputs @ W + b)
    return (V_node_out, I_edge, V_edge)

if __name__ == "__main__":
    import jax
    _d = setup_inputs()
    print(jax.jit(kernel)(*tuple(_d.values())))

</pallas_src>

<mosaic_0001>
#map = affine_map<(d0, d1) -> (0)>
#map1 = affine_map<(d0, d1) -> (0, 0, 0)>
module attributes {stable_mosaic.version = 14 : i64} {
  func.func @sc_edges(%arg0: i32, %arg1: i32, %arg2: memref<10240xf32, #tpu.memory_space<hbm>>, %arg3: memref<10240xf32, #tpu.memory_space<hbm>>, %arg4: memref<20480xf32, #tpu.memory_space<hbm>>, %arg5: memref<2500x4x128xf32, #tpu.memory_space<hbm>>, %arg6: memref<320000xi32, #tpu.memory_space<hbm>>, %arg7: memref<320000xi32, #tpu.memory_space<hbm>>, %arg8: memref<640000xf32, #tpu.memory_space<hbm>>, %arg9: memref<640000xf32, #tpu.memory_space<hbm>>, %arg10: memref<655360xf32, #tpu.memory_space<hbm>>, %arg11: memref<10240xf32, #tpu.memory_space<vmem>>, %arg12: memref<10240xf32, #tpu.memory_space<vmem>>, %arg13: memref<20480xf32, #tpu.memory_space<vmem>>, %arg14: memref<!tpu.dma_semaphore, #tpu.memory_space<semaphore_mem>>, %arg15: memref<3328xi32, #tpu.memory_space<vmem>>, %arg16: memref<3328xi32, #tpu.memory_space<vmem>>, %arg17: memref<26x4x128xf32, #tpu.memory_space<vmem>>, %arg18: memref<6656xf32, #tpu.memory_space<vmem>>, %arg19: memref<6656xf32, #tpu.memory_space<vmem>>, %arg20: memref<!tpu.dma_semaphore, #tpu.memory_space<semaphore_mem>>, %arg21: memref<!tpu.dma_semaphore, #tpu.memory_space<semaphore_mem>>, %arg22: memref<3328xi32, #tpu.memory_space<vmem>>, %arg23: memref<3328xi32, #tpu.memory_space<vmem>>, %arg24: memref<26x4x128xf32, #tpu.memory_space<vmem>>, %arg25: memref<6656xf32, #tpu.memory_space<vmem>>, %arg26: memref<6656xf32, #tpu.memory_space<vmem>>, %arg27: memref<!tpu.dma_semaphore, #tpu.memory_space<semaphore_mem>>, %arg28: memref<!tpu.dma_semaphore, #tpu.memory_space<semaphore_mem>>) attributes {dimension_semantics = [#tpu.dimension_semantics<core_parallel>, #tpu.dimension_semantics<subcore_parallel>], iteration_bounds = array<i64: 2, 16>, scalar_prefetch = 0 : i64, scratch_operands = 18 : i64, tpu.core_type = #tpu.core_type<sc_vector_subcore>, window_params = [{transform_indices = #map}, {transform_indices = #map}, {transform_indices = #map}, {transform_indices = #map1}, {transform_indices = #map}, {transform_indices = #map}, {transform_indices = #map}, {transform_indices = #map}, {transform_indices = #map}]} {
    %mul3A = arith.constant 2 : i32
    %mul3A_0 = arith.muli %arg1, %mul3A : i32
    %add3A = arith.addi %mul3A_0, %arg0 : i32
    %iota3A = tpu.iota {dimensions = array<i32: 0>} : vector<16xi32>
    %mul3A_1 = arith.constant 78 : i32
    %mul3A_2 = arith.muli %add3A, %mul3A_1 : i32
    %min3A = arith.constant 4 : i32
    %min3A_3 = arith.minsi %add3A, %min3A : i32
    %add3A_4 = arith.addi %mul3A_2, %min3A_3 : i32
    tpu.enqueue_dma source(%arg2 : memref<10240xf32, #tpu.memory_space<hbm>>) target(%arg11 : memref<10240xf32, #tpu.memory_space<vmem>>) target_semaphore(%arg14 : memref<!tpu.dma_semaphore, #tpu.memory_space<semaphore_mem>>)
    tpu.enqueue_dma source(%arg3 : memref<10240xf32, #tpu.memory_space<hbm>>) target(%arg12 : memref<10240xf32, #tpu.memory_space<vmem>>) target_semaphore(%arg14 : memref<!tpu.dma_semaphore, #tpu.memory_space<semaphore_mem>>)
    tpu.enqueue_dma source(%arg4 : memref<20480xf32, #tpu.memory_space<hbm>>) target(%arg13 : memref<20480xf32, #tpu.memory_space<vmem>>) target_semaphore(%arg14 : memref<!tpu.dma_semaphore, #tpu.memory_space<semaphore_mem>>)
    %add3A_5 = arith.constant 0 : i32
    %add3A_6 = arith.addi %add3A_4, %add3A_5 : i32
    %mul3A_7 = arith.constant 128 : i32
    %mul3A_8 = arith.muli %add3A_6, %mul3A_7 : i32
    %dma_start3A = tpu.memref_slice %arg6[%mul3A_8] : memref<320000xi32, #tpu.memory_space<hbm>> -> memref<3328xi32, #tpu.memory_space<hbm>>
    %dma_start3A_9 = tpu.memref_slice %arg6[%mul3A_8] : memref<320000xi32, #tpu.memory_space<hbm>> -> memref<3328xi32, #tpu.memory_space<hbm>>
    tpu.enqueue_dma source(%dma_start3A_9 : memref<3328xi32, #tpu.memory_space<hbm>>) target(%arg15 : memref<3328xi32, #tpu.memory_space<vmem>>) target_semaphore(%arg20 : memref<!tpu.dma_semaphore, #tpu.memory_space<semaphore_mem>>)
    %dma_start3A_10 = tpu.memref_slice %arg7[%mul3A_8] : memref<320000xi32, #tpu.memory_space<hbm>> -> memref<3328xi32, #tpu.memory_space<hbm>>
    %dma_start3A_11 = tpu.memref_slice %arg7[%mul3A_8] : memref<320000xi32, #tpu.memory_space<hbm>> -> memref<3328xi32, #tpu.memory_space<hbm>>
    tpu.enqueue_dma source(%dma_start3A_11 : memref<3328xi32, #tpu.memory_space<hbm>>) target(%arg16 : memref<3328xi32, #tpu.memory_space<vmem>>) target_semaphore(%arg20 : memref<!tpu.dma_semaphore, #tpu.memory_space<semaphore_mem>>)
    %dma_start3A_12 = arith.constant 0 : i32
    %dma_start3A_13 = arith.constant 0 : i32
    %dma_start3A_14 = tpu.memref_slice %arg5[%add3A_6, %dma_start3A_12, %dma_start3A_13] : memref<2500x4x128xf32, #tpu.memory_space<hbm>> -> memref<26x4x128xf32, #tpu.memory_space<hbm>>
    %dma_start3A_15 = arith.constant 0 : i32
    %dma_start3A_16 = arith.constant 0 : i32
    %dma_start3A_17 = tpu.memref_slice %arg5[%add3A_6, %dma_start3A_15, %dma_start3A_16] : memref<2500x4x128xf32, #tpu.memory_space<hbm>> -> memref<26x4x128xf32, #tpu.memory_space<hbm>>
    tpu.enqueue_dma source(%dma_start3A_17 : memref<26x4x128xf32, #tpu.memory_space<hbm>>) target(%arg17 : memref<26x4x128xf32, #tpu.memory_space<vmem>>) target_semaphore(%arg20 : memref<!tpu.dma_semaphore, #tpu.memory_space<semaphore_mem>>)
    tpu.wait_dma2 semaphore(%arg14 : memref<!tpu.dma_semaphore, #tpu.memory_space<semaphore_mem>>) src(%arg2 : memref<10240xf32, #tpu.memory_space<hbm>>) dst(%arg11 : memref<10240xf32, #tpu.memory_space<vmem>>)
    tpu.wait_dma2 semaphore(%arg14 : memref<!tpu.dma_semaphore, #tpu.memory_space<semaphore_mem>>) src(%arg3 : memref<10240xf32, #tpu.memory_space<hbm>>) dst(%arg12 : memref<10240xf32, #tpu.memory_space<vmem>>)
    tpu.wait_dma2 semaphore(%arg14 : memref<!tpu.dma_semaphore, #tpu.memory_space<semaphore_mem>>) src(%arg4 : memref<20480xf32, #tpu.memory_space<hbm>>) dst(%arg13 : memref<20480xf32, #tpu.memory_space<vmem>>)
    %dma_wait3A = tpu.memref_slice %arg6[%mul3A_8] : memref<320000xi32, #tpu.memory_space<hbm>> -> memref<3328xi32, #tpu.memory_space<hbm>>
    %dma_wait3A_18 = tpu.memref_slice %arg6[%mul3A_8] : memref<320000xi32, #tpu.memory_space<hbm>> -> memref<3328xi32, #tpu.memory_space<hbm>>
    tpu.wait_dma2 semaphore(%arg20 : memref<!tpu.dma_semaphore, #tpu.memory_space<semaphore_mem>>) src(%dma_wait3A_18 : memref<3328xi32, #tpu.memory_space<hbm>>) dst(%arg15 : memref<3328xi32, #tpu.memory_space<vmem>>)
    %dma_wait3A_19 = tpu.memref_slice %arg7[%mul3A_8] : memref<320000xi32, #tpu.memory_space<hbm>> -> memref<3328xi32, #tpu.memory_space<hbm>>
    %dma_wait3A_20 = tpu.memref_slice %arg7[%mul3A_8] : memref<320000xi32, #tpu.memory_space<hbm>> -> memref<3328xi32, #tpu.memory_space<hbm>>
    tpu.wait_dma2 semaphore(%arg20 : memref<!tpu.dma_semaphore, #tpu.memory_space<semaphore_mem>>) src(%dma_wait3A_20 : memref<3328xi32, #tpu.memory_space<hbm>>) dst(%arg16 : memref<3328xi32, #tpu.memory_space<vmem>>)
    %dma_wait3A_21 = arith.constant 0 : i32
    %dma_wait3A_22 = arith.constant 0 : i32
    %dma_wait3A_23 = tpu.memref_slice %arg5[%add3A_6, %dma_wait3A_21, %dma_wait3A_22] : memref<2500x4x128xf32, #tpu.memory_space<hbm>> -> memref<26x4x128xf32, #tpu.memory_space<hbm>>
    %dma_wait3A_24 = arith.constant 0 : i32
    %dma_wait3A_25 = arith.constant 0 : i32
    %dma_wait3A_26 = tpu.memref_slice %arg5[%add3A_6, %dma_wait3A_24, %dma_wait3A_25] : memref<2500x4x128xf32, #tpu.memory_space<hbm>> -> memref<26x4x128xf32, #tpu.memory_space<hbm>>
    tpu.wait_dma2 semaphore(%arg20 : memref<!tpu.dma_semaphore, #tpu.memory_space<semaphore_mem>>) src(%dma_wait3A_26 : memref<26x4x128xf32, #tpu.memory_space<hbm>>) dst(%arg17 : memref<26x4x128xf32, #tpu.memory_space<vmem>>)
    %add3A_27 = arith.constant 26 : i32
    %add3A_28 = arith.addi %add3A_4, %add3A_27 : i32
    %mul3A_29 = arith.constant 128 : i32
    %mul3A_30 = arith.muli %add3A_28, %mul3A_29 : i32
    %dma_start3A_31 = tpu.memref_slice %arg6[%mul3A_30] : memref<320000xi32, #tpu.memory_space<hbm>> -> memref<3328xi32, #tpu.memory_space<hbm>>
    %dma_start3A_32 = tpu.memref_slice %arg6[%mul3A_30] : memref<320000xi32, #tpu.memory_space<hbm>> -> memref<3328xi32, #tpu.memory_space<hbm>>
    tpu.enqueue_dma source(%dma_start3A_32 : memref<3328xi32, #tpu.memory_space<hbm>>) target(%arg22 : memref<3328xi32, #tpu.memory_space<vmem>>) target_semaphore(%arg27 : memref<!tpu.dma_semaphore, #tpu.memory_space<semaphore_mem>>)
    %dma_start3A_33 = tpu.memref_slice %arg7[%mul3A_30] : memref<320000xi32, #tpu.memory_space<hbm>> -> memref<3328xi32, #tpu.memory_space<hbm>>
    %dma_start3A_34 = tpu.memref_slice %arg7[%mul3A_30] : memref<320000xi32, #tpu.memory_space<hbm>> -> memref<3328xi32, #tpu.memory_space<hbm>>
    tpu.enqueue_dma source(%dma_start3A_34 : memref<3328xi32, #tpu.memory_space<hbm>>) target(%arg23 : memref<3328xi32, #tpu.memory_space<vmem>>) target_semaphore(%arg27 : memref<!tpu.dma_semaphore, #tpu.memory_space<semaphore_mem>>)
    %dma_start3A_35 = arith.constant 0 : i32
    %dma_start3A_36 = arith.constant 0 : i32
    %dma_start3A_37 = tpu.memref_slice %arg5[%add3A_28, %dma_start3A_35, %dma_start3A_36] : memref<2500x4x128xf32, #tpu.memory_space<hbm>> -> memref<26x4x128xf32, #tpu.memory_space<hbm>>
    %dma_start3A_38 = arith.constant 0 : i32
    %dma_start3A_39 = arith.constant 0 : i32
    %dma_start3A_40 = tpu.memref_slice %arg5[%add3A_28, %dma_start3A_38, %dma_start3A_39] : memref<2500x4x128xf32, #tpu.memory_space<hbm>> -> memref<26x4x128xf32, #tpu.memory_space<hbm>>
    tpu.enqueue_dma source(%dma_start3A_40 : memref<26x4x128xf32, #tpu.memory_space<hbm>>) target(%arg24 : memref<26x4x128xf32, #tpu.memory_space<vmem>>) target_semaphore(%arg27 : memref<!tpu.dma_semaphore, #tpu.memory_space<semaphore_mem>>)
    %parallel_loop3A = arith.constant 0 : i32
    %parallel_loop3A_41 = arith.constant 3328 : i32
    %parallel_loop3A_42 = arith.constant 16 : i32
    scf.for %parallel_loop3A_141 = %parallel_loop3A to %parallel_loop3A_41 step %parallel_loop3A_42  : i32 {
      %parallel_loop3A_142 = arith.constant 128 : i32
      %parallel_loop3A_143 = arith.divsi %parallel_loop3A_141, %parallel_loop3A_142 : i32
      %parallel_loop3A_144 = arith.constant 0 : i32
      %parallel_loop3A_145 = arith.cmpi sgt, %parallel_loop3A_141, %parallel_loop3A_144 : i32
      %parallel_loop3A_146 = arith.extui %parallel_loop3A_145 : i1 to i32
      %parallel_loop3A_147 = arith.constant 0 : i32
      %parallel_loop3A_148 = arith.cmpi slt, %parallel_loop3A_141, %parallel_loop3A_147 : i32
      %parallel_loop3A_149 = arith.extui %parallel_loop3A_148 : i1 to i32
      %parallel_loop3A_150 = arith.subi %parallel_loop3A_146, %parallel_loop3A_149 : i32
      %parallel_loop3A_151 = arith.constant 0 : i32
      %parallel_loop3A_152 = arith.cmpi sgt, %parallel_loop3A_142, %parallel_loop3A_151 : i32
      %parallel_loop3A_153 = arith.extui %parallel_loop3A_152 : i1 to i32
      %parallel_loop3A_154 = arith.constant 0 : i32
      %parallel_loop3A_155 = arith.cmpi slt, %parallel_loop3A_142, %parallel_loop3A_154 : i32
      %parallel_loop3A_156 = arith.extui %parallel_loop3A_155 : i1 to i32
      %parallel_loop3A_157 = arith.subi %parallel_loop3A_153, %parallel_loop3A_156 : i32
      %parallel_loop3A_158 = arith.cmpi ne, %parallel_loop3A_150, %parallel_loop3A_157 : i32
      %parallel_loop3A_159 = arith.remsi %parallel_loop3A_141, %parallel_loop3A_142 : i32
      %parallel_loop3A_160 = arith.constant 0 : i32
      %parallel_loop3A_161 = arith.cmpi ne, %parallel_loop3A_159, %parallel_loop3A_160 : i32
      %parallel_loop3A_162 = arith.andi %parallel_loop3A_158, %parallel_loop3A_161 : i1
      %parallel_loop3A_163 = arith.constant 1 : i32
      %parallel_loop3A_164 = arith.subi %parallel_loop3A_143, %parallel_loop3A_163 : i32
      %parallel_loop3A_165 = arith.select %parallel_loop3A_162, %parallel_loop3A_164, %parallel_loop3A_143 : i32
      %parallel_loop3A_166 = arith.constant 128 : i32
      %parallel_loop3A_167 = arith.muli %parallel_loop3A_165, %parallel_loop3A_166 : i32
      %parallel_loop3A_168 = arith.subi %parallel_loop3A_141, %parallel_loop3A_167 : i32
      %parallel_loop3A_169 = arith.index_cast %parallel_loop3A_141 : i32 to index
      %parallel_loop3A_170 = tpu.vector_load %arg15[%parallel_loop3A_169] {strides = array<i32>} : memref<3328xi32, #tpu.memory_space<vmem>>, vector<16xi32>,
      %parallel_loop3A_171 = arith.index_cast %parallel_loop3A_141 : i32 to index
      %parallel_loop3A_172 = tpu.vector_load %arg16[%parallel_loop3A_171] {strides = array<i32>} : memref<3328xi32, #tpu.memory_space<vmem>>, vector<16xi32>,
      %parallel_loop3A_173 = arith.constant 0 : i32
      %parallel_loop3A_174 = arith.index_cast %parallel_loop3A_165 : i32 to index
      %parallel_loop3A_175 = arith.index_cast %parallel_loop3A_173 : i32 to index
      %parallel_loop3A_176 = arith.index_cast %parallel_loop3A_168 : i32 to index
      %parallel_loop3A_177 = tpu.vector_load %arg17[%parallel_loop3A_174, %parallel_loop3A_175, %parallel_loop3A_176] {strides = array<i32>} : memref<26x4x128xf32, #tpu.memory_space<vmem>>, vector<16xf32>,
      %parallel_loop3A_178 = arith.constant 1 : i32
      %parallel_loop3A_179 = arith.index_cast %parallel_loop3A_165 : i32 to index
      %parallel_loop3A_180 = arith.index_cast %parallel_loop3A_178 : i32 to index
      %parallel_loop3A_181 = arith.index_cast %parallel_loop3A_168 : i32 to index
      %parallel_loop3A_182 = tpu.vector_load %arg17[%parallel_loop3A_179, %parallel_loop3A_180, %parallel_loop3A_181] {strides = array<i32>} : memref<26x4x128xf32, #tpu.memory_space<vmem>>, vector<16xf32>,
      %parallel_loop3A_183 = tpu.vector_load_idx %arg11[%parallel_loop3A_172] : memref<10240xf32, #tpu.memory_space<vmem>>[vector<16xi32>], vector<16xf32>,
      %parallel_loop3A_184 = tpu.vector_load_idx %arg12[%parallel_loop3A_172] : memref<10240xf32, #tpu.memory_space<vmem>>[vector<16xi32>], vector<16xf32>,
      %parallel_loop3A_185 = tpu.vector_load_idx %arg11[%parallel_loop3A_170] : memref<10240xf32, #tpu.memory_space<vmem>>[vector<16xi32>], vector<16xf32>,
      %parallel_loop3A_186 = tpu.vector_load_idx %arg12[%parallel_loop3A_170] : memref<10240xf32, #tpu.memory_space<vmem>>[vector<16xi32>], vector<16xf32>,
      %parallel_loop3A_187 = arith.subf %parallel_loop3A_183, %parallel_loop3A_185 : vector<16xf32>
      %parallel_loop3A_188 = arith.subf %parallel_loop3A_184, %parallel_loop3A_186 : vector<16xf32>
      %parallel_loop3A_189 = arith.mulf %parallel_loop3A_177, %parallel_loop3A_187 : vector<16xf32>
      %parallel_loop3A_190 = arith.mulf %parallel_loop3A_182, %parallel_loop3A_188 : vector<16xf32>
      %parallel_loop3A_191 = arith.subf %parallel_loop3A_189, %parallel_loop3A_190 : vector<16xf32>
      %parallel_loop3A_192 = arith.mulf %parallel_loop3A_177, %parallel_loop3A_188 : vector<16xf32>
      %parallel_loop3A_193 = arith.mulf %parallel_loop3A_182, %parallel_loop3A_187 : vector<16xf32>
      %parallel_loop3A_194 = arith.addf %parallel_loop3A_192, %parallel_loop3A_193 : vector<16xf32>
      %parallel_loop3A_195 = arith.constant 2 : i32
      %parallel_loop3A_196 = arith.muli %parallel_loop3A_165, %parallel_loop3A_195 : i32
      %parallel_loop3A_197 = arith.constant 128 : i32
      %parallel_loop3A_198 = arith.muli %parallel_loop3A_196, %parallel_loop3A_197 : i32
      %parallel_loop3A_199 = arith.addi %parallel_loop3A_198, %parallel_loop3A_168 : i32
      %parallel_loop3A_200 = arith.index_cast %parallel_loop3A_199 : i32 to index
      %parallel_loop3A_201 = tpu.vector_load %arg19[%parallel_loop3A_200] {strides = array<i32>} : memref<6656xf32, #tpu.memory_space<vmem>>, vector<16xf32>,
      tpu.vector_store %arg19[%parallel_loop3A_200], %parallel_loop3A_187 {strides = array<i32>} : memref<6656xf32, #tpu.memory_space<vmem>>, vector<16xf32>,
      %parallel_loop3A_202 = arith.constant 128 : i32
      %parallel_loop3A_203 = arith.addi %parallel_loop3A_199, %parallel_loop3A_202 : i32
      %parallel_loop3A_204 = arith.index_cast %parallel_loop3A_203 : i32 to index
      %parallel_loop3A_205 = tpu.vector_load %arg19[%parallel_loop3A_204] {strides = array<i32>} : memref<6656xf32, #tpu.memory_space<vmem>>, vector<16xf32>,
      tpu.vector_store %arg19[%parallel_loop3A_204], %parallel_loop3A_188 {strides = array<i32>} : memref<6656xf32, #tpu.memory_space<vmem>>, vector<16xf32>,
      %parallel_loop3A_206 = arith.index_cast %parallel_loop3A_199 : i32 to index
      %parallel_loop3A_207 = tpu.vector_load %arg18[%parallel_loop3A_206] {strides = array<i32>} : memref<6656xf32, #tpu.memory_space<vmem>>, vector<16xf32>,
      tpu.vector_store %arg18[%parallel_loop3A_206], %parallel_loop3A_191 {strides = array<i32>} : memref<6656xf32, #tpu.memory_space<vmem>>, vector<16xf32>,
      %parallel_loop3A_208 = arith.constant 128 : i32
      %parallel_loop3A_209 = arith.addi %parallel_loop3A_199, %parallel_loop3A_208 : i32
      %parallel_loop3A_210 = arith.index_cast %parallel_loop3A_209 : i32 to index
      %parallel_loop3A_211 = tpu.vector_load %arg18[%parallel_loop3A_210] {strides = array<i32>} : memref<6656xf32, #tpu.memory_space<vmem>>, vector<16xf32>,
      tpu.vector_store %arg18[%parallel_loop3A_210], %parallel_loop3A_194 {strides = array<i32>} : memref<6656xf32, #tpu.memory_space<vmem>>, vector<16xf32>,
      tpu.vector_store_idx %arg13[%parallel_loop3A_172], %parallel_loop3A_191 {add = true} : memref<20480xf32, #tpu.memory_space<vmem>>[vector<16xi32>], vector<16xf32>,
      %parallel_loop3A_212 = arith.constant 10240 : i32
      %parallel_loop3A_213 = vector.broadcast %parallel_loop3A_212 : i32 to vector<16xi32>
      %parallel_loop3A_214 = arith.addi %parallel_loop3A_172, %parallel_loop3A_213 : vector<16xi32>
      tpu.vector_store_idx %arg13[%parallel_loop3A_214], %parallel_loop3A_194 {add = true} : memref<20480xf32, #tpu.memory_space<vmem>>[vector<16xi32>], vector<16xf32>,
      %parallel_loop3A_215 = arith.constant 0.000000e+00 : f32
      %parallel_loop3A_216 = vector.broadcast %parallel_loop3A_215 : f32 to vector<16xf32>
      %parallel_loop3A_217 = arith.subf %parallel_loop3A_216, %parallel_loop3A_191 : vector<16xf32>
      tpu.vector_store_idx %arg13[%parallel_loop3A_170], %parallel_loop3A_217 {add = true} : memref<20480xf32, #tpu.memory_space<vmem>>[vector<16xi32>], vector<16xf32>,
      %parallel_loop3A_218 = arith.constant 10240 : i32
      %parallel_loop3A_219 = vector.broadcast %parallel_loop3A_218 : i32 to vector<16xi32>
      %parallel_loop3A_220 = arith.addi %parallel_loop3A_170, %parallel_loop3A_219 : vector<16xi32>
      %parallel_loop3A_221 = arith.constant 0.000000e+00 : f32
      %parallel_loop3A_222 = vector.broadcast %parallel_loop3A_221 : f32 to vector<16xf32>
      %parallel_loop3A_223 = arith.subf %parallel_loop3A_222, %parallel_loop3A_194 : vector<16xf32>
      tpu.vector_store_idx %arg13[%parallel_loop3A_220], %parallel_loop3A_223 {add = true} : memref<20480xf32, #tpu.memory_space<vmem>>[vector<16xi32>], vector<16xf32>,
    } {sc.loop_unroll_factor = 4 : i64, sc.parallel_access}
    %add3A_43 = arith.constant 0 : i32
    %add3A_44 = arith.addi %add3A_4, %add3A_43 : i32
    %mul3A_45 = arith.constant 2 : i32
    %mul3A_46 = arith.muli %add3A_44, %mul3A_45 : i32
    %mul3A_47 = arith.constant 128 : i32
    %mul3A_48 = arith.muli %mul3A_46, %mul3A_47 : i32
    %dma_start3A_49 = tpu.memref_slice %arg8[%mul3A_48] : memref<640000xf32, #tpu.memory_space<hbm>> -> memref<6656xf32, #tpu.memory_space<hbm>>
    %dma_start3A_50 = tpu.memref_slice %arg8[%mul3A_48] : memref<640000xf32, #tpu.memory_space<hbm>> -> memref<6656xf32, #tpu.memory_space<hbm>>
    tpu.enqueue_dma source(%arg18 : memref<6656xf32, #tpu.memory_space<vmem>>) target(%dma_start3A_50 : memref<6656xf32, #tpu.memory_space<hbm>>) target_semaphore(%arg21 : memref<!tpu.dma_semaphore, #tpu.memory_space<semaphore_mem>>)
    %mul3A_51 = arith.constant 2 : i32
    %mul3A_52 = arith.muli %add3A_44, %mul3A_51 : i32
    %mul3A_53 = arith.constant 128 : i32
    %mul3A_54 = arith.muli %mul3A_52, %mul3A_53 : i32
    %dma_start3A_55 = tpu.memref_slice %arg9[%mul3A_54] : memref<640000xf32, #tpu.memory_space<hbm>> -> memref<6656xf32, #tpu.memory_space<hbm>>
    %dma_start3A_56 = tpu.memref_slice %arg9[%mul3A_54] : memref<640000xf32, #tpu.memory_space<hbm>> -> memref<6656xf32, #tpu.memory_space<hbm>>
    tpu.enqueue_dma source(%arg19 : memref<6656xf32, #tpu.memory_space<vmem>>) target(%dma_start3A_56 : memref<6656xf32, #tpu.memory_space<hbm>>) target_semaphore(%arg21 : memref<!tpu.dma_semaphore, #tpu.memory_space<semaphore_mem>>)
    %dma_wait3A_57 = tpu.memref_slice %arg6[%mul3A_30] : memref<320000xi32, #tpu.memory_space<hbm>> -> memref<3328xi32, #tpu.memory_space<hbm>>
    %dma_wait3A_58 = tpu.memref_slice %arg6[%mul3A_30] : memref<320000xi32, #tpu.memory_space<hbm>> -> memref<3328xi32, #tpu.memory_space<hbm>>
    tpu.wait_dma2 semaphore(%arg27 : memref<!tpu.dma_semaphore, #tpu.memory_space<semaphore_mem>>) src(%dma_wait3A_58 : memref<3328xi32, #tpu.memory_space<hbm>>) dst(%arg22 : memref<3328xi32, #tpu.memory_space<vmem>>)
    %dma_wait3A_59 = tpu.memref_slice %arg7[%mul3A_30] : memref<320000xi32, #tpu.memory_space<hbm>> -> memref<3328xi32, #tpu.memory_space<hbm>>
    %dma_wait3A_60 = tpu.memref_slice %arg7[%mul3A_30] : memref<320000xi32, #tpu.memory_space<hbm>> -> memref<3328xi32, #tpu.memory_space<hbm>>
    tpu.wait_dma2 semaphore(%arg27 : memref<!tpu.dma_semaphore, #tpu.memory_space<semaphore_mem>>) src(%dma_wait3A_60 : memref<3328xi32, #tpu.memory_space<hbm>>) dst(%arg23 : memref<3328xi32, #tpu.memory_space<vmem>>)
    %dma_wait3A_61 = arith.constant 0 : i32
    %dma_wait3A_62 = arith.constant 0 : i32
    %dma_wait3A_63 = tpu.memref_slice %arg5[%add3A_28, %dma_wait3A_61, %dma_wait3A_62] : memref<2500x4x128xf32, #tpu.memory_space<hbm>> -> memref<26x4x128xf32, #tpu.memory_space<hbm>>
    %dma_wait3A_64 = arith.constant 0 : i32
    %dma_wait3A_65 = arith.constant 0 : i32
    %dma_wait3A_66 = tpu.memref_slice %arg5[%add3A_28, %dma_wait3A_64, %dma_wait3A_65] : memref<2500x4x128xf32, #tpu.memory_space<hbm>> -> memref<26x4x128xf32, #tpu.memory_space<hbm>>
    tpu.wait_dma2 semaphore(%arg27 : memref<!tpu.dma_semaphore, #tpu.memory_space<semaphore_mem>>) src(%dma_wait3A_66 : memref<26x4x128xf32, #tpu.memory_space<hbm>>) dst(%arg24 : memref<26x4x128xf32, #tpu.memory_space<vmem>>)
    %add3A_67 = arith.constant 52 : i32
    %add3A_68 = arith.addi %add3A_4, %add3A_67 : i32
    %mul3A_69 = arith.constant 128 : i32
    %mul3A_70 = arith.muli %add3A_68, %mul3A_69 : i32
    %dma_start3A_71 = tpu.memref_slice %arg6[%mul3A_70] : memref<320000xi32, #tpu.memory_space<hbm>> -> memref<3328xi32, #tpu.memory_space<hbm>>
    %dma_start3A_72 = tpu.memref_slice %arg6[%mul3A_70] : memref<320000xi32, #tpu.memory_space<hbm>> -> memref<3328xi32, #tpu.memory_space<hbm>>
    tpu.enqueue_dma source(%dma_start3A_72 : memref<3328xi32, #tpu.memory_space<hbm>>) target(%arg15 : memref<3328xi32, #tpu.memory_space<vmem>>) target_semaphore(%arg20 : memref<!tpu.dma_semaphore, #tpu.memory_space<semaphore_mem>>)
    %dma_start3A_73 = tpu.memref_slice %arg7[%mul3A_70] : memref<320000xi32, #tpu.memory_space<hbm>> -> memref<3328xi32, #tpu.memory_space<hbm>>
    %dma_start3A_74 = tpu.memref_slice %arg7[%mul3A_70] : memref<320000xi32, #tpu.memory_space<hbm>> -> memref<3328xi32, #tpu.memory_space<hbm>>
    tpu.enqueue_dma source(%dma_start3A_74 : memref<3328xi32, #tpu.memory_space<hbm>>) target(%arg16 : memref<3328xi32, #tpu.memory_space<vmem>>) target_semaphore(%arg20 : memref<!tpu.dma_semaphore, #tpu.memory_space<semaphore_mem>>)
    %dma_start3A_75 = arith.constant 0 : i32
    %dma_start3A_76 = arith.constant 0 : i32
    %dma_start3A_77 = tpu.memref_slice %arg5[%add3A_68, %dma_start3A_75, %dma_start3A_76] : memref<2500x4x128xf32, #tpu.memory_space<hbm>> -> memref<26x4x128xf32, #tpu.memory_space<hbm>>
    %dma_start3A_78 = arith.constant 0 : i32
    %dma_start3A_79 = arith.constant 0 : i32
    %dma_start3A_80 = tpu.memref_slice %arg5[%add3A_68, %dma_start3A_78, %dma_start3A_79] : memref<2500x4x128xf32, #tpu.memory_space<hbm>> -> memref<26x4x128xf32, #tpu.memory_space<hbm>>
    tpu.enqueue_dma source(%dma_start3A_80 : memref<26x4x128xf32, #tpu.memory_space<hbm>>) target(%arg17 : memref<26x4x128xf32, #tpu.memory_space<vmem>>) target_semaphore(%arg20 : memref<!tpu.dma_semaphore, #tpu.memory_space<semaphore_mem>>)
    %parallel_loop3A_81 = arith.constant 0 : i32
    %parallel_loop3A_82 = arith.constant 3328 : i32
    %parallel_loop3A_83 = arith.constant 16 : i32
    scf.for %parallel_loop3A_141 = %parallel_loop3A_81 to %parallel_loop3A_82 step %parallel_loop3A_83  : i32 {
      %parallel_loop3A_142 = arith.constant 128 : i32
      %parallel_loop3A_143 = arith.divsi %parallel_loop3A_141, %parallel_loop3A_142 : i32
      %parallel_loop3A_144 = arith.constant 0 : i32
      %parallel_loop3A_145 = arith.cmpi sgt, %parallel_loop3A_141, %parallel_loop3A_144 : i32
      %parallel_loop3A_146 = arith.extui %parallel_loop3A_145 : i1 to i32
      %parallel_loop3A_147 = arith.constant 0 : i32
      %parallel_loop3A_148 = arith.cmpi slt, %parallel_loop3A_141, %parallel_loop3A_147 : i32
      %parallel_loop3A_149 = arith.extui %parallel_loop3A_148 : i1 to i32
      %parallel_loop3A_150 = arith.subi %parallel_loop3A_146, %parallel_loop3A_149 : i32
      %parallel_loop3A_151 = arith.constant 0 : i32
      %parallel_loop3A_152 = arith.cmpi sgt, %parallel_loop3A_142, %parallel_loop3A_151 : i32
      %parallel_loop3A_153 = arith.extui %parallel_loop3A_152 : i1 to i32
      %parallel_loop3A_154 = arith.constant 0 : i32
      %parallel_loop3A_155 = arith.cmpi slt, %parallel_loop3A_142, %parallel_loop3A_154 : i32
      %parallel_loop3A_156 = arith.extui %parallel_loop3A_155 : i1 to i32
      %parallel_loop3A_157 = arith.subi %parallel_loop3A_153, %parallel_loop3A_156 : i32
      %parallel_loop3A_158 = arith.cmpi ne, %parallel_loop3A_150, %parallel_loop3A_157 : i32
      %parallel_loop3A_159 = arith.remsi %parallel_loop3A_141, %parallel_loop3A_142 : i32
      %parallel_loop3A_160 = arith.constant 0 : i32
      %parallel_loop3A_161 = arith.cmpi ne, %parallel_loop3A_159, %parallel_loop3A_160 : i32
      %parallel_loop3A_162 = arith.andi %parallel_loop3A_158, %parallel_loop3A_161 : i1
      %parallel_loop3A_163 = arith.constant 1 : i32
      %parallel_loop3A_164 = arith.subi %parallel_loop3A_143, %parallel_loop3A_163 : i32
      %parallel_loop3A_165 = arith.select %parallel_loop3A_162, %parallel_loop3A_164, %parallel_loop3A_143 : i32
      %parallel_loop3A_166 = arith.constant 128 : i32
      %parallel_loop3A_167 = arith.muli %parallel_loop3A_165, %parallel_loop3A_166 : i32
      %parallel_loop3A_168 = arith.subi %parallel_loop3A_141, %parallel_loop3A_167 : i32
      %parallel_loop3A_169 = arith.index_cast %parallel_loop3A_141 : i32 to index
      %parallel_loop3A_170 = tpu.vector_load %arg22[%parallel_loop3A_169] {strides = array<i32>} : memref<3328xi32, #tpu.memory_space<vmem>>, vector<16xi32>,
      %parallel_loop3A_171 = arith.index_cast %parallel_loop3A_141 : i32 to index
      %parallel_loop3A_172 = tpu.vector_load %arg23[%parallel_loop3A_171] {strides = array<i32>} : memref<3328xi32, #tpu.memory_space<vmem>>, vector<16xi32>,
      %parallel_loop3A_173 = arith.constant 0 : i32
      %parallel_loop3A_174 = arith.index_cast %parallel_loop3A_165 : i32 to index
      %parallel_loop3A_175 = arith.index_cast %parallel_loop3A_173 : i32 to index
      %parallel_loop3A_176 = arith.index_cast %parallel_loop3A_168 : i32 to index
      %parallel_loop3A_177 = tpu.vector_load %arg24[%parallel_loop3A_174, %parallel_loop3A_175, %parallel_loop3A_176] {strides = array<i32>} : memref<26x4x128xf32, #tpu.memory_space<vmem>>, vector<16xf32>,
      %parallel_loop3A_178 = arith.constant 1 : i32
      %parallel_loop3A_179 = arith.index_cast %parallel_loop3A_165 : i32 to index
      %parallel_loop3A_180 = arith.index_cast %parallel_loop3A_178 : i32 to index
      %parallel_loop3A_181 = arith.index_cast %parallel_loop3A_168 : i32 to index
      %parallel_loop3A_182 = tpu.vector_load %arg24[%parallel_loop3A_179, %parallel_loop3A_180, %parallel_loop3A_181] {strides = array<i32>} : memref<26x4x128xf32, #tpu.memory_space<vmem>>, vector<16xf32>,
      %parallel_loop3A_183 = tpu.vector_load_idx %arg11[%parallel_loop3A_172] : memref<10240xf32, #tpu.memory_space<vmem>>[vector<16xi32>], vector<16xf32>,
      %parallel_loop3A_184 = tpu.vector_load_idx %arg12[%parallel_loop3A_172] : memref<10240xf32, #tpu.memory_space<vmem>>[vector<16xi32>], vector<16xf32>,
      %parallel_loop3A_185 = tpu.vector_load_idx %arg11[%parallel_loop3A_170] : memref<10240xf32, #tpu.memory_space<vmem>>[vector<16xi32>], vector<16xf32>,
      %parallel_loop3A_186 = tpu.vector_load_idx %arg12[%parallel_loop3A_170] : memref<10240xf32, #tpu.memory_space<vmem>>[vector<16xi32>], vector<16xf32>,
      %parallel_loop3A_187 = arith.subf %parallel_loop3A_183, %parallel_loop3A_185 : vector<16xf32>
      %parallel_loop3A_188 = arith.subf %parallel_loop3A_184, %parallel_loop3A_186 : vector<16xf32>
      %parallel_loop3A_189 = arith.mulf %parallel_loop3A_177, %parallel_loop3A_187 : vector<16xf32>
      %parallel_loop3A_190 = arith.mulf %parallel_loop3A_182, %parallel_loop3A_188 : vector<16xf32>
      %parallel_loop3A_191 = arith.subf %parallel_loop3A_189, %parallel_loop3A_190 : vector<16xf32>
      %parallel_loop3A_192 = arith.mulf %parallel_loop3A_177, %parallel_loop3A_188 : vector<16xf32>
      %parallel_loop3A_193 = arith.mulf %parallel_loop3A_182, %parallel_loop3A_187 : vector<16xf32>
      %parallel_loop3A_194 = arith.addf %parallel_loop3A_192, %parallel_loop3A_193 : vector<16xf32>
      %parallel_loop3A_195 = arith.constant 2 : i32
      %parallel_loop3A_196 = arith.muli %parallel_loop3A_165, %parallel_loop3A_195 : i32
      %parallel_loop3A_197 = arith.constant 128 : i32
      %parallel_loop3A_198 = arith.muli %parallel_loop3A_196, %parallel_loop3A_197 : i32
      %parallel_loop3A_199 = arith.addi %parallel_loop3A_198, %parallel_loop3A_168 : i32
      %parallel_loop3A_200 = arith.index_cast %parallel_loop3A_199 : i32 to index
      %parallel_loop3A_201 = tpu.vector_load %arg26[%parallel_loop3A_200] {strides = array<i32>} : memref<6656xf32, #tpu.memory_space<vmem>>, vector<16xf32>,
      tpu.vector_store %arg26[%parallel_loop3A_200], %parallel_loop3A_187 {strides = array<i32>} : memref<6656xf32, #tpu.memory_space<vmem>>, vector<16xf32>,
      %parallel_loop3A_202 = arith.constant 128 : i32
      %parallel_loop3A_203 = arith.addi %parallel_loop3A_199, %parallel_loop3A_202 : i32
      %parallel_loop3A_204 = arith.index_cast %parallel_loop3A_203 : i32 to index
      %parallel_loop3A_205 = tpu.vector_load %arg26[%parallel_loop3A_204] {strides = array<i32>} : memref<6656xf32, #tpu.memory_space<vmem>>, vector<16xf32>,
      tpu.vector_store %arg26[%parallel_loop3A_204], %parallel_loop3A_188 {strides = array<i32>} : memref<6656xf32, #tpu.memory_space<vmem>>, vector<16xf32>,
      %parallel_loop3A_206 = arith.index_cast %parallel_loop3A_199 : i32 to index
      %parallel_loop3A_207 = tpu.vector_load %arg25[%parallel_loop3A_206] {strides = array<i32>} : memref<6656xf32, #tpu.memory_space<vmem>>, vector<16xf32>,
      tpu.vector_store %arg25[%parallel_loop3A_206], %parallel_loop3A_191 {strides = array<i32>} : memref<6656xf32, #tpu.memory_space<vmem>>, vector<16xf32>,
      %parallel_loop3A_208 = arith.constant 128 : i32
      %parallel_loop3A_209 = arith.addi %parallel_loop3A_199, %parallel_loop3A_208 : i32
      %parallel_loop3A_210 = arith.index_cast %parallel_loop3A_209 : i32 to index
      %parallel_loop3A_211 = tpu.vector_load %arg25[%parallel_loop3A_210] {strides = array<i32>} : memref<6656xf32, #tpu.memory_space<vmem>>, vector<16xf32>,
      tpu.vector_store %arg25[%parallel_loop3A_210], %parallel_loop3A_194 {strides = array<i32>} : memref<6656xf32, #tpu.memory_space<vmem>>, vector<16xf32>,
      tpu.vector_store_idx %arg13[%parallel_loop3A_172], %parallel_loop3A_191 {add = true} : memref<20480xf32, #tpu.memory_space<vmem>>[vector<16xi32>], vector<16xf32>,
      %parallel_loop3A_212 = arith.constant 10240 : i32
      %parallel_loop3A_213 = vector.broadcast %parallel_loop3A_212 : i32 to vector<16xi32>
      %parallel_loop3A_214 = arith.addi %parallel_loop3A_172, %parallel_loop3A_213 : vector<16xi32>
      tpu.vector_store_idx %arg13[%parallel_loop3A_214], %parallel_loop3A_194 {add = true} : memref<20480xf32, #tpu.memory_space<vmem>>[vector<16xi32>], vector<16xf32>,
      %parallel_loop3A_215 = arith.constant 0.000000e+00 : f32
      %parallel_loop3A_216 = vector.broadcast %parallel_loop3A_215 : f32 to vector<16xf32>
      %parallel_loop3A_217 = arith.subf %parallel_loop3A_216, %parallel_loop3A_191 : vector<16xf32>
      tpu.vector_store_idx %arg13[%parallel_loop3A_170], %parallel_loop3A_217 {add = true} : memref<20480xf32, #tpu.memory_space<vmem>>[vector<16xi32>], vector<16xf32>,
      %parallel_loop3A_218 = arith.constant 10240 : i32
      %parallel_loop3A_219 = vector.broadcast %parallel_loop3A_218 : i32 to vector<16xi32>
      %parallel_loop3A_220 = arith.addi %parallel_loop3A_170, %parallel_loop3A_219 : vector<16xi32>
      %parallel_loop3A_221 = arith.constant 0.000000e+00 : f32
      %parallel_loop3A_222 = vector.broadcast %parallel_loop3A_221 : f32 to vector<16xf32>
      %parallel_loop3A_223 = arith.subf %parallel_loop3A_222, %parallel_loop3A_194 : vector<16xf32>
      tpu.vector_store_idx %arg13[%parallel_loop3A_220], %parallel_loop3A_223 {add = true} : memref<20480xf32, #tpu.memory_space<vmem>>[vector<16xi32>], vector<16xf32>,
    } {sc.loop_unroll_factor = 4 : i64, sc.parallel_access}
    %add3A_84 = arith.constant 26 : i32
    %add3A_85 = arith.addi %add3A_4, %add3A_84 : i32
    %mul3A_86 = arith.constant 2 : i32
    %mul3A_87 = arith.muli %add3A_85, %mul3A_86 : i32
    %mul3A_88 = arith.constant 128 : i32
    %mul3A_89 = arith.muli %mul3A_87, %mul3A_88 : i32
    %dma_start3A_90 = tpu.memref_slice %arg8[%mul3A_89] : memref<640000xf32, #tpu.memory_space<hbm>> -> memref<6656xf32, #tpu.memory_space<hbm>>
    %dma_start3A_91 = tpu.memref_slice %arg8[%mul3A_89] : memref<640000xf32, #tpu.memory_space<hbm>> -> memref<6656xf32, #tpu.memory_space<hbm>>
    tpu.enqueue_dma source(%arg25 : memref<6656xf32, #tpu.memory_space<vmem>>) target(%dma_start3A_91 : memref<6656xf32, #tpu.memory_space<hbm>>) target_semaphore(%arg28 : memref<!tpu.dma_semaphore, #tpu.memory_space<semaphore_mem>>)
    %mul3A_92 = arith.constant 2 : i32
    %mul3A_93 = arith.muli %add3A_85, %mul3A_92 : i32
    %mul3A_94 = arith.constant 128 : i32
    %mul3A_95 = arith.muli %mul3A_93, %mul3A_94 : i32
    %dma_start3A_96 = tpu.memref_slice %arg9[%mul3A_95] : memref<640000xf32, #tpu.memory_space<hbm>> -> memref<6656xf32, #tpu.memory_space<hbm>>
    %dma_start3A_97 = tpu.memref_slice %arg9[%mul3A_95] : memref<640000xf32, #tpu.memory_space<hbm>> -> memref<6656xf32, #tpu.memory_space<hbm>>
    tpu.enqueue_dma source(%arg26 : memref<6656xf32, #tpu.memory_space<vmem>>) target(%dma_start3A_97 : memref<6656xf32, #tpu.memory_space<hbm>>) target_semaphore(%arg28 : memref<!tpu.dma_semaphore, #tpu.memory_space<semaphore_mem>>)
    %dma_wait3A_98 = tpu.memref_slice %arg6[%mul3A_70] : memref<320000xi32, #tpu.memory_space<hbm>> -> memref<3328xi32, #tpu.memory_space<hbm>>
    %dma_wait3A_99 = tpu.memref_slice %arg6[%mul3A_70] : memref<320000xi32, #tpu.memory_space<hbm>> -> memref<3328xi32, #tpu.memory_space<hbm>>
    tpu.wait_dma2 semaphore(%arg20 : memref<!tpu.dma_semaphore, #tpu.memory_space<semaphore_mem>>) src(%dma_wait3A_99 : memref<3328xi32, #tpu.memory_space<hbm>>) dst(%arg15 : memref<3328xi32, #tpu.memory_space<vmem>>)
    %dma_wait3A_100 = tpu.memref_slice %arg7[%mul3A_70] : memref<320000xi32, #tpu.memory_space<hbm>> -> memref<3328xi32, #tpu.memory_space<hbm>>
    %dma_wait3A_101 = tpu.memref_slice %arg7[%mul3A_70] : memref<320000xi32, #tpu.memory_space<hbm>> -> memref<3328xi32, #tpu.memory_space<hbm>>
    tpu.wait_dma2 semaphore(%arg20 : memref<!tpu.dma_semaphore, #tpu.memory_space<semaphore_mem>>) src(%dma_wait3A_101 : memref<3328xi32, #tpu.memory_space<hbm>>) dst(%arg16 : memref<3328xi32, #tpu.memory_space<vmem>>)
    %dma_wait3A_102 = arith.constant 0 : i32
    %dma_wait3A_103 = arith.constant 0 : i32
    %dma_wait3A_104 = tpu.memref_slice %arg5[%add3A_68, %dma_wait3A_102, %dma_wait3A_103] : memref<2500x4x128xf32, #tpu.memory_space<hbm>> -> memref<26x4x128xf32, #tpu.memory_space<hbm>>
    %dma_wait3A_105 = arith.constant 0 : i32
    %dma_wait3A_106 = arith.constant 0 : i32
    %dma_wait3A_107 = tpu.memref_slice %arg5[%add3A_68, %dma_wait3A_105, %dma_wait3A_106] : memref<2500x4x128xf32, #tpu.memory_space<hbm>> -> memref<26x4x128xf32, #tpu.memory_space<hbm>>
    tpu.wait_dma2 semaphore(%arg20 : memref<!tpu.dma_semaphore, #tpu.memory_space<semaphore_mem>>) src(%dma_wait3A_107 : memref<26x4x128xf32, #tpu.memory_space<hbm>>) dst(%arg17 : memref<26x4x128xf32, #tpu.memory_space<vmem>>)
    %dma_wait3A_108 = tpu.memref_slice %arg8[%mul3A_48] : memref<640000xf32, #tpu.memory_space<hbm>> -> memref<6656xf32, #tpu.memory_space<hbm>>
    %dma_wait3A_109 = tpu.memref_slice %arg8[%mul3A_48] : memref<640000xf32, #tpu.memory_space<hbm>> -> memref<6656xf32, #tpu.memory_space<hbm>>
    tpu.wait_dma2 semaphore(%arg21 : memref<!tpu.dma_semaphore, #tpu.memory_space<semaphore_mem>>) src(%arg18 : memref<6656xf32, #tpu.memory_space<vmem>>) dst(%dma_wait3A_109 : memref<6656xf32, #tpu.memory_space<hbm>>)
    %dma_wait3A_110 = tpu.memref_slice %arg9[%mul3A_54] : memref<640000xf32, #tpu.memory_space<hbm>> -> memref<6656xf32, #tpu.memory_space<hbm>>
    %dma_wait3A_111 = tpu.memref_slice %arg9[%mul3A_54] : memref<640000xf32, #tpu.memory_space<hbm>> -> memref<6656xf32, #tpu.memory_space<hbm>>
    tpu.wait_dma2 semaphore(%arg21 : memref<!tpu.dma_semaphore, #tpu.memory_space<semaphore_mem>>) src(%arg19 : memref<6656xf32, #tpu.memory_space<vmem>>) dst(%dma_wait3A_111 : memref<6656xf32, #tpu.memory_space<hbm>>)
    %parallel_loop3A_112 = arith.constant 0 : i32
    %parallel_loop3A_113 = arith.constant 3328 : i32
    %parallel_loop3A_114 = arith.constant 16 : i32
    scf.for %parallel_loop3A_141 = %parallel_loop3A_112 to %parallel_loop3A_113 step %parallel_loop3A_114  : i32 {
      %parallel_loop3A_142 = arith.constant 128 : i32
      %parallel_loop3A_143 = arith.divsi %parallel_loop3A_141, %parallel_loop3A_142 : i32
      %parallel_loop3A_144 = arith.constant 0 : i32
      %parallel_loop3A_145 = arith.cmpi sgt, %parallel_loop3A_141, %parallel_loop3A_144 : i32
      %parallel_loop3A_146 = arith.extui %parallel_loop3A_145 : i1 to i32
      %parallel_loop3A_147 = arith.constant 0 : i32
      %parallel_loop3A_148 = arith.cmpi slt, %parallel_loop3A_141, %parallel_loop3A_147 : i32
      %parallel_loop3A_149 = arith.extui %parallel_loop3A_148 : i1 to i32
      %parallel_loop3A_150 = arith.subi %parallel_loop3A_146, %parallel_loop3A_149 : i32
      %parallel_loop3A_151 = arith.constant 0 : i32
      %parallel_loop3A_152 = arith.cmpi sgt, %parallel_loop3A_142, %parallel_loop3A_151 : i32
      %parallel_loop3A_153 = arith.extui %parallel_loop3A_152 : i1 to i32
      %parallel_loop3A_154 = arith.constant 0 : i32
      %parallel_loop3A_155 = arith.cmpi slt, %parallel_loop3A_142, %parallel_loop3A_154 : i32
      %parallel_loop3A_156 = arith.extui %parallel_loop3A_155 : i1 to i32
      %parallel_loop3A_157 = arith.subi %parallel_loop3A_153, %parallel_loop3A_156 : i32
      %parallel_loop3A_158 = arith.cmpi ne, %parallel_loop3A_150, %parallel_loop3A_157 : i32
      %parallel_loop3A_159 = arith.remsi %parallel_loop3A_141, %parallel_loop3A_142 : i32
      %parallel_loop3A_160 = arith.constant 0 : i32
      %parallel_loop3A_161 = arith.cmpi ne, %parallel_loop3A_159, %parallel_loop3A_160 : i32
      %parallel_loop3A_162 = arith.andi %parallel_loop3A_158, %parallel_loop3A_161 : i1
      %parallel_loop3A_163 = arith.constant 1 : i32
      %parallel_loop3A_164 = arith.subi %parallel_loop3A_143, %parallel_loop3A_163 : i32
      %parallel_loop3A_165 = arith.select %parallel_loop3A_162, %parallel_loop3A_164, %parallel_loop3A_143 : i32
      %parallel_loop3A_166 = arith.constant 128 : i32
      %parallel_loop3A_167 = arith.muli %parallel_loop3A_165, %parallel_loop3A_166 : i32
      %parallel_loop3A_168 = arith.subi %parallel_loop3A_141, %parallel_loop3A_167 : i32
      %parallel_loop3A_169 = arith.index_cast %parallel_loop3A_141 : i32 to index
      %parallel_loop3A_170 = tpu.vector_load %arg15[%parallel_loop3A_169] {strides = array<i32>} : memref<3328xi32, #tpu.memory_space<vmem>>, vector<16xi32>,
      %parallel_loop3A_171 = arith.index_cast %parallel_loop3A_141 : i32 to index
      %parallel_loop3A_172 = tpu.vector_load %arg16[%parallel_loop3A_171] {strides = array<i32>} : memref<3328xi32, #tpu.memory_space<vmem>>, vector<16xi32>,
      %parallel_loop3A_173 = arith.constant 0 : i32
      %parallel_loop3A_174 = arith.index_cast %parallel_loop3A_165 : i32 to index
      %parallel_loop3A_175 = arith.index_cast %parallel_loop3A_173 : i32 to index
      %parallel_loop3A_176 = arith.index_cast %parallel_loop3A_168 : i32 to index
      %parallel_loop3A_177 = tpu.vector_load %arg17[%parallel_loop3A_174, %parallel_loop3A_175, %parallel_loop3A_176] {strides = array<i32>} : memref<26x4x128xf32, #tpu.memory_space<vmem>>, vector<16xf32>,
      %parallel_loop3A_178 = arith.constant 1 : i32
      %parallel_loop3A_179 = arith.index_cast %parallel_loop3A_165 : i32 to index
      %parallel_loop3A_180 = arith.index_cast %parallel_loop3A_178 : i32 to index
      %parallel_loop3A_181 = arith.index_cast %parallel_loop3A_168 : i32 to index
      %parallel_loop3A_182 = tpu.vector_load %arg17[%parallel_loop3A_179, %parallel_loop3A_180, %parallel_loop3A_181] {strides = array<i32>} : memref<26x4x128xf32, #tpu.memory_space<vmem>>, vector<16xf32>,
      %parallel_loop3A_183 = tpu.vector_load_idx %arg11[%parallel_loop3A_172] : memref<10240xf32, #tpu.memory_space<vmem>>[vector<16xi32>], vector<16xf32>,
      %parallel_loop3A_184 = tpu.vector_load_idx %arg12[%parallel_loop3A_172] : memref<10240xf32, #tpu.memory_space<vmem>>[vector<16xi32>], vector<16xf32>,
      %parallel_loop3A_185 = tpu.vector_load_idx %arg11[%parallel_loop3A_170] : memref<10240xf32, #tpu.memory_space<vmem>>[vector<16xi32>], vector<16xf32>,
      %parallel_loop3A_186 = tpu.vector_load_idx %arg12[%parallel_loop3A_170] : memref<10240xf32, #tpu.memory_space<vmem>>[vector<16xi32>], vector<16xf32>,
      %parallel_loop3A_187 = arith.subf %parallel_loop3A_183, %parallel_loop3A_185 : vector<16xf32>
      %parallel_loop3A_188 = arith.subf %parallel_loop3A_184, %parallel_loop3A_186 : vector<16xf32>
      %parallel_loop3A_189 = arith.mulf %parallel_loop3A_177, %parallel_loop3A_187 : vector<16xf32>
      %parallel_loop3A_190 = arith.mulf %parallel_loop3A_182, %parallel_loop3A_188 : vector<16xf32>
      %parallel_loop3A_191 = arith.subf %parallel_loop3A_189, %parallel_loop3A_190 : vector<16xf32>
      %parallel_loop3A_192 = arith.mulf %parallel_loop3A_177, %parallel_loop3A_188 : vector<16xf32>
      %parallel_loop3A_193 = arith.mulf %parallel_loop3A_182, %parallel_loop3A_187 : vector<16xf32>
      %parallel_loop3A_194 = arith.addf %parallel_loop3A_192, %parallel_loop3A_193 : vector<16xf32>
      %parallel_loop3A_195 = arith.constant 2 : i32
      %parallel_loop3A_196 = arith.muli %parallel_loop3A_165, %parallel_loop3A_195 : i32
      %parallel_loop3A_197 = arith.constant 128 : i32
      %parallel_loop3A_198 = arith.muli %parallel_loop3A_196, %parallel_loop3A_197 : i32
      %parallel_loop3A_199 = arith.addi %parallel_loop3A_198, %parallel_loop3A_168 : i32
      %parallel_loop3A_200 = arith.index_cast %parallel_loop3A_199 : i32 to index
      %parallel_loop3A_201 = tpu.vector_load %arg19[%parallel_loop3A_200] {strides = array<i32>} : memref<6656xf32, #tpu.memory_space<vmem>>, vector<16xf32>,
      tpu.vector_store %arg19[%parallel_loop3A_200], %parallel_loop3A_187 {strides = array<i32>} : memref<6656xf32, #tpu.memory_space<vmem>>, vector<16xf32>,
      %parallel_loop3A_202 = arith.constant 128 : i32
      %parallel_loop3A_203 = arith.addi %parallel_loop3A_199, %parallel_loop3A_202 : i32
      %parallel_loop3A_204 = arith.index_cast %parallel_loop3A_203 : i32 to index
      %parallel_loop3A_205 = tpu.vector_load %arg19[%parallel_loop3A_204] {strides = array<i32>} : memref<6656xf32, #tpu.memory_space<vmem>>, vector<16xf32>,
      tpu.vector_store %arg19[%parallel_loop3A_204], %parallel_loop3A_188 {strides = array<i32>} : memref<6656xf32, #tpu.memory_space<vmem>>, vector<16xf32>,
      %parallel_loop3A_206 = arith.index_cast %parallel_loop3A_199 : i32 to index
      %parallel_loop3A_207 = tpu.vector_load %arg18[%parallel_loop3A_206] {strides = array<i32>} : memref<6656xf32, #tpu.memory_space<vmem>>, vector<16xf32>,
      tpu.vector_store %arg18[%parallel_loop3A_206], %parallel_loop3A_191 {strides = array<i32>} : memref<6656xf32, #tpu.memory_space<vmem>>, vector<16xf32>,
      %parallel_loop3A_208 = arith.constant 128 : i32
      %parallel_loop3A_209 = arith.addi %parallel_loop3A_199, %parallel_loop3A_208 : i32
      %parallel_loop3A_210 = arith.index_cast %parallel_loop3A_209 : i32 to index
      %parallel_loop3A_211 = tpu.vector_load %arg18[%parallel_loop3A_210] {strides = array<i32>} : memref<6656xf32, #tpu.memory_space<vmem>>, vector<16xf32>,
      tpu.vector_store %arg18[%parallel_loop3A_210], %parallel_loop3A_194 {strides = array<i32>} : memref<6656xf32, #tpu.memory_space<vmem>>, vector<16xf32>,
      tpu.vector_store_idx %arg13[%parallel_loop3A_172], %parallel_loop3A_191 {add = true} : memref<20480xf32, #tpu.memory_space<vmem>>[vector<16xi32>], vector<16xf32>,
      %parallel_loop3A_212 = arith.constant 10240 : i32
      %parallel_loop3A_213 = vector.broadcast %parallel_loop3A_212 : i32 to vector<16xi32>
      %parallel_loop3A_214 = arith.addi %parallel_loop3A_172, %parallel_loop3A_213 : vector<16xi32>
      tpu.vector_store_idx %arg13[%parallel_loop3A_214], %parallel_loop3A_194 {add = true} : memref<20480xf32, #tpu.memory_space<vmem>>[vector<16xi32>], vector<16xf32>,
      %parallel_loop3A_215 = arith.constant 0.000000e+00 : f32
      %parallel_loop3A_216 = vector.broadcast %parallel_loop3A_215 : f32 to vector<16xf32>
      %parallel_loop3A_217 = arith.subf %parallel_loop3A_216, %parallel_loop3A_191 : vector<16xf32>
      tpu.vector_store_idx %arg13[%parallel_loop3A_170], %parallel_loop3A_217 {add = true} : memref<20480xf32, #tpu.memory_space<vmem>>[vector<16xi32>], vector<16xf32>,
      %parallel_loop3A_218 = arith.constant 10240 : i32
      %parallel_loop3A_219 = vector.broadcast %parallel_loop3A_218 : i32 to vector<16xi32>
      %parallel_loop3A_220 = arith.addi %parallel_loop3A_170, %parallel_loop3A_219 : vector<16xi32>
      %parallel_loop3A_221 = arith.constant 0.000000e+00 : f32
      %parallel_loop3A_222 = vector.broadcast %parallel_loop3A_221 : f32 to vector<16xf32>
      %parallel_loop3A_223 = arith.subf %parallel_loop3A_222, %parallel_loop3A_194 : vector<16xf32>
      tpu.vector_store_idx %arg13[%parallel_loop3A_220], %parallel_loop3A_223 {add = true} : memref<20480xf32, #tpu.memory_space<vmem>>[vector<16xi32>], vector<16xf32>,
    } {sc.loop_unroll_factor = 4 : i64, sc.parallel_access}
    %add3A_115 = arith.constant 52 : i32
    %add3A_116 = arith.addi %add3A_4, %add3A_115 : i32
    %mul3A_117 = arith.constant 2 : i32
    %mul3A_118 = arith.muli %add3A_116, %mul3A_117 : i32
    %mul3A_119 = arith.constant 128 : i32
    %mul3A_120 = arith.muli %mul3A_118, %mul3A_119 : i32
    %dma_start3A_121 = tpu.memref_slice %arg8[%mul3A_120] : memref<640000xf32, #tpu.memory_space<hbm>> -> memref<6656xf32, #tpu.memory_space<hbm>>
    %dma_start3A_122 = tpu.memref_slice %arg8[%mul3A_120] : memref<640000xf32, #tpu.memory_space<hbm>> -> memref<6656xf32, #tpu.memory_space<hbm>>
    tpu.enqueue_dma source(%arg18 : memref<6656xf32, #tpu.memory_space<vmem>>) target(%dma_start3A_122 : memref<6656xf32, #tpu.memory_space<hbm>>) target_semaphore(%arg21 : memref<!tpu.dma_semaphore, #tpu.memory_space<semaphore_mem>>)
    %mul3A_123 = arith.constant 2 : i32
    %mul3A_124 = arith.muli %add3A_116, %mul3A_123 : i32
    %mul3A_125 = arith.constant 128 : i32
    %mul3A_126 = arith.muli %mul3A_124, %mul3A_125 : i32
    %dma_start3A_127 = tpu.memref_slice %arg9[%mul3A_126] : memref<640000xf32, #tpu.memory_space<hbm>> -> memref<6656xf32, #tpu.memory_space<hbm>>
    %dma_start3A_128 = tpu.memref_slice %arg9[%mul3A_126] : memref<640000xf32, #tpu.memory_space<hbm>> -> memref<6656xf32, #tpu.memory_space<hbm>>
    tpu.enqueue_dma source(%arg19 : memref<6656xf32, #tpu.memory_space<vmem>>) target(%dma_start3A_128 : memref<6656xf32, #tpu.memory_space<hbm>>) target_semaphore(%arg21 : memref<!tpu.dma_semaphore, #tpu.memory_space<semaphore_mem>>)
    %dma_wait3A_129 = tpu.memref_slice %arg8[%mul3A_89] : memref<640000xf32, #tpu.memory_space<hbm>> -> memref<6656xf32, #tpu.memory_space<hbm>>
    %dma_wait3A_130 = tpu.memref_slice %arg8[%mul3A_89] : memref<640000xf32, #tpu.memory_space<hbm>> -> memref<6656xf32, #tpu.memory_space<hbm>>
    tpu.wait_dma2 semaphore(%arg28 : memref<!tpu.dma_semaphore, #tpu.memory_space<semaphore_mem>>) src(%arg25 : memref<6656xf32, #tpu.memory_space<vmem>>) dst(%dma_wait3A_130 : memref<6656xf32, #tpu.memory_space<hbm>>)
    %dma_wait3A_131 = tpu.memref_slice %arg9[%mul3A_95] : memref<640000xf32, #tpu.memory_space<hbm>> -> memref<6656xf32, #tpu.memory_space<hbm>>
    %dma_wait3A_132 = tpu.memref_slice %arg9[%mul3A_95] : memref<640000xf32, #tpu.memory_space<hbm>> -> memref<6656xf32, #tpu.memory_space<hbm>>
    tpu.wait_dma2 semaphore(%arg28 : memref<!tpu.dma_semaphore, #tpu.memory_space<semaphore_mem>>) src(%arg26 : memref<6656xf32, #tpu.memory_space<vmem>>) dst(%dma_wait3A_132 : memref<6656xf32, #tpu.memory_space<hbm>>)
    %dma_wait3A_133 = tpu.memref_slice %arg8[%mul3A_120] : memref<640000xf32, #tpu.memory_space<hbm>> -> memref<6656xf32, #tpu.memory_space<hbm>>
    %dma_wait3A_134 = tpu.memref_slice %arg8[%mul3A_120] : memref<640000xf32, #tpu.memory_space<hbm>> -> memref<6656xf32, #tpu.memory_space<hbm>>
    tpu.wait_dma2 semaphore(%arg21 : memref<!tpu.dma_semaphore, #tpu.memory_space<semaphore_mem>>) src(%arg18 : memref<6656xf32, #tpu.memory_space<vmem>>) dst(%dma_wait3A_134 : memref<6656xf32, #tpu.memory_space<hbm>>)
    %dma_wait3A_135 = tpu.memref_slice %arg9[%mul3A_126] : memref<640000xf32, #tpu.memory_space<hbm>> -> memref<6656xf32, #tpu.memory_space<hbm>>
    %dma_wait3A_136 = tpu.memref_slice %arg9[%mul3A_126] : memref<640000xf32, #tpu.memory_space<hbm>> -> memref<6656xf32, #tpu.memory_space<hbm>>
    tpu.wait_dma2 semaphore(%arg21 : memref<!tpu.dma_semaphore, #tpu.memory_space<semaphore_mem>>) src(%arg19 : memref<6656xf32, #tpu.memory_space<vmem>>) dst(%dma_wait3A_136 : memref<6656xf32, #tpu.memory_space<hbm>>)
    %lt3A = arith.constant 4 : i32
    %lt3A_137 = arith.cmpi slt, %add3A, %lt3A : i32
    %convert_element_type3A = arith.extui %lt3A_137 : i1 to i32
    %cond3A = arith.constant 0 : i32
    %cond3A_138 = arith.cmpi ne, %convert_element_type3A, %cond3A : i32
    scf.if %cond3A_138 {
      %add3A_141 = arith.constant 78 : i32
      %add3A_142 = arith.addi %add3A_4, %add3A_141 : i32
      %mul3A_143 = arith.constant 128 : i32
      %mul3A_144 = arith.muli %add3A_142, %mul3A_143 : i32
      "tpu.region"() ({
        %run_scoped3A = tpu.sem_alloc : memref<!tpu.dma_semaphore, #tpu.memory_space<semaphore_mem>>
        %dma_start3A_156 = arith.constant 0 : i32
        %dma_start3A_157 = tpu.memref_slice %arg15[%dma_start3A_156] : memref<3328xi32, #tpu.memory_space<vmem>> -> memref<128xi32, #tpu.memory_space<vmem>>
        %dma_start3A_158 = tpu.memref_slice %arg6[%mul3A_144] : memref<320000xi32, #tpu.memory_space<hbm>> -> memref<128xi32, #tpu.memory_space<hbm>>
        %dma_start3A_159 = arith.constant 0 : i32
        %dma_start3A_160 = tpu.memref_slice %arg15[%dma_start3A_159] : memref<3328xi32, #tpu.memory_space<vmem>> -> memref<128xi32, #tpu.memory_space<vmem>>
        %dma_start3A_161 = tpu.memref_slice %arg6[%mul3A_144] : memref<320000xi32, #tpu.memory_space<hbm>> -> memref<128xi32, #tpu.memory_space<hbm>>
        tpu.enqueue_dma source(%dma_start3A_161 : memref<128xi32, #tpu.memory_space<hbm>>) target(%dma_start3A_160 : memref<128xi32, #tpu.memory_space<vmem>>) target_semaphore(%run_scoped3A : memref<!tpu.dma_semaphore, #tpu.memory_space<semaphore_mem>>)
        %dma_wait3A_162 = arith.constant 0 : i32
        %dma_wait3A_163 = tpu.memref_slice %arg15[%dma_wait3A_162] : memref<3328xi32, #tpu.memory_space<vmem>> -> memref<128xi32, #tpu.memory_space<vmem>>
        %dma_wait3A_164 = tpu.memref_slice %arg6[%mul3A_144] : memref<320000xi32, #tpu.memory_space<hbm>> -> memref<128xi32, #tpu.memory_space<hbm>>
        %dma_wait3A_165 = arith.constant 0 : i32
        %dma_wait3A_166 = tpu.memref_slice %arg15[%dma_wait3A_165] : memref<3328xi32, #tpu.memory_space<vmem>> -> memref<128xi32, #tpu.memory_space<vmem>>
        %dma_wait3A_167 = tpu.memref_slice %arg6[%mul3A_144] : memref<320000xi32, #tpu.memory_space<hbm>> -> memref<128xi32, #tpu.memory_space<hbm>>
        tpu.wait_dma2 semaphore(%run_scoped3A : memref<!tpu.dma_semaphore, #tpu.memory_space<semaphore_mem>>) src(%dma_wait3A_167 : memref<128xi32, #tpu.memory_space<hbm>>) dst(%dma_wait3A_166 : memref<128xi32, #tpu.memory_space<vmem>>)
        tpu.yield
      }) : () -> ()
      "tpu.region"() ({
        %run_scoped3A = tpu.sem_alloc : memref<!tpu.dma_semaphore, #tpu.memory_space<semaphore_mem>>
        %dma_start3A_156 = arith.constant 0 : i32
        %dma_start3A_157 = tpu.memref_slice %arg16[%dma_start3A_156] : memref<3328xi32, #tpu.memory_space<vmem>> -> memref<128xi32, #tpu.memory_space<vmem>>
        %dma_start3A_158 = tpu.memref_slice %arg7[%mul3A_144] : memref<320000xi32, #tpu.memory_space<hbm>> -> memref<128xi32, #tpu.memory_space<hbm>>
        %dma_start3A_159 = arith.constant 0 : i32
        %dma_start3A_160 = tpu.memref_slice %arg16[%dma_start3A_159] : memref<3328xi32, #tpu.memory_space<vmem>> -> memref<128xi32, #tpu.memory_space<vmem>>
        %dma_start3A_161 = tpu.memref_slice %arg7[%mul3A_144] : memref<320000xi32, #tpu.memory_space<hbm>> -> memref<128xi32, #tpu.memory_space<hbm>>
        tpu.enqueue_dma source(%dma_start3A_161 : memref<128xi32, #tpu.memory_space<hbm>>) target(%dma_start3A_160 : memref<128xi32, #tpu.memory_space<vmem>>) target_semaphore(%run_scoped3A : memref<!tpu.dma_semaphore, #tpu.memory_space<semaphore_mem>>)
        %dma_wait3A_162 = arith.constant 0 : i32
        %dma_wait3A_163 = tpu.memref_slice %arg16[%dma_wait3A_162] : memref<3328xi32, #tpu.memory_space<vmem>> -> memref<128xi32, #tpu.memory_space<vmem>>
        %dma_wait3A_164 = tpu.memref_slice %arg7[%mul3A_144] : memref<320000xi32, #tpu.memory_space<hbm>> -> memref<128xi32, #tpu.memory_space<hbm>>
        %dma_wait3A_165 = arith.constant 0 : i32
        %dma_wait3A_166 = tpu.memref_slice %arg16[%dma_wait3A_165] : memref<3328xi32, #tpu.memory_space<vmem>> -> memref<128xi32, #tpu.memory_space<vmem>>
        %dma_wait3A_167 = tpu.memref_slice %arg7[%mul3A_144] : memref<320000xi32, #tpu.memory_space<hbm>> -> memref<128xi32, #tpu.memory_space<hbm>>
        tpu.wait_dma2 semaphore(%run_scoped3A : memref<!tpu.dma_semaphore, #tpu.memory_space<semaphore_mem>>) src(%dma_wait3A_167 : memref<128xi32, #tpu.memory_space<hbm>>) dst(%dma_wait3A_166 : memref<128xi32, #tpu.memory_space<vmem>>)
        tpu.yield
      }) : () -> ()
      "tpu.region"() ({
        %run_scoped3A = tpu.sem_alloc : memref<!tpu.dma_semaphore, #tpu.memory_space<semaphore_mem>>
        %dma_start3A_156 = arith.constant 0 : i32
        %dma_start3A_157 = arith.constant 0 : i32
        %dma_start3A_158 = arith.constant 0 : i32
        %dma_start3A_159 = tpu.memref_slice %arg17[%dma_start3A_156, %dma_start3A_157, %dma_start3A_158] : memref<26x4x128xf32, #tpu.memory_space<vmem>> -> memref<1x4x128xf32, #tpu.memory_space<vmem>>
        %dma_start3A_160 = arith.constant 0 : i32
        %dma_start3A_161 = arith.constant 0 : i32
        %dma_start3A_162 = tpu.memref_slice %arg5[%add3A_142, %dma_start3A_160, %dma_start3A_161] : memref<2500x4x128xf32, #tpu.memory_space<hbm>> -> memref<1x4x128xf32, #tpu.memory_space<hbm>>
        %dma_start3A_163 = arith.constant 0 : i32
        %dma_start3A_164 = arith.constant 0 : i32
        %dma_start3A_165 = arith.constant 0 : i32
        %dma_start3A_166 = tpu.memref_slice %arg17[%dma_start3A_163, %dma_start3A_164, %dma_start3A_165] : memref<26x4x128xf32, #tpu.memory_space<vmem>> -> memref<1x4x128xf32, #tpu.memory_space<vmem>>
        %dma_start3A_167 = arith.constant 0 : i32
        %dma_start3A_168 = arith.constant 0 : i32
        %dma_start3A_169 = tpu.memref_slice %arg5[%add3A_142, %dma_start3A_167, %dma_start3A_168] : memref<2500x4x128xf32, #tpu.memory_space<hbm>> -> memref<1x4x128xf32, #tpu.memory_space<hbm>>
        tpu.enqueue_dma source(%dma_start3A_169 : memref<1x4x128xf32, #tpu.memory_space<hbm>>) target(%dma_start3A_166 : memref<1x4x128xf32, #tpu.memory_space<vmem>>) target_semaphore(%run_scoped3A : memref<!tpu.dma_semaphore, #tpu.memory_space<semaphore_mem>>)
        %dma_wait3A_170 = arith.constant 0 : i32
        %dma_wait3A_171 = arith.constant 0 : i32
        %dma_wait3A_172 = arith.constant 0 : i32
        %dma_wait3A_173 = tpu.memref_slice %arg17[%dma_wait3A_170, %dma_wait3A_171, %dma_wait3A_172] : memref<26x4x128xf32, #tpu.memory_space<vmem>> -> memref<1x4x128xf32, #tpu.memory_space<vmem>>
        %dma_wait3A_174 = arith.constant 0 : i32
        %dma_wait3A_175 = arith.constant 0 : i32
        %dma_wait3A_176 = tpu.memref_slice %arg5[%add3A_142, %dma_wait3A_174, %dma_wait3A_175] : memref<2500x4x128xf32, #tpu.memory_space<hbm>> -> memref<1x4x128xf32, #tpu.memory_space<hbm>>
        %dma_wait3A_177 = arith.constant 0 : i32
        %dma_wait3A_178 = arith.constant 0 : i32
        %dma_wait3A_179 = arith.constant 0 : i32
        %dma_wait3A_180 = tpu.memref_slice %arg17[%dma_wait3A_177, %dma_wait3A_178, %dma_wait3A_179] : memref<26x4x128xf32, #tpu.memory_space<vmem>> -> memref<1x4x128xf32, #tpu.memory_space<vmem>>
        %dma_wait3A_181 = arith.constant 0 : i32
        %dma_wait3A_182 = arith.constant 0 : i32
        %dma_wait3A_183 = tpu.memref_slice %arg5[%add3A_142, %dma_wait3A_181, %dma_wait3A_182] : memref<2500x4x128xf32, #tpu.memory_space<hbm>> -> memref<1x4x128xf32, #tpu.memory_space<hbm>>
        tpu.wait_dma2 semaphore(%run_scoped3A : memref<!tpu.dma_semaphore, #tpu.memory_space<semaphore_mem>>) src(%dma_wait3A_183 : memref<1x4x128xf32, #tpu.memory_space<hbm>>) dst(%dma_wait3A_180 : memref<1x4x128xf32, #tpu.memory_space<vmem>>)
        tpu.yield
      }) : () -> ()
      %parallel_loop3A_145 = arith.constant 0 : i32
      %parallel_loop3A_146 = arith.constant 128 : i32
      %parallel_loop3A_147 = arith.constant 16 : i32
      scf.for %parallel_loop3A_156 = %parallel_loop3A_145 to %parallel_loop3A_146 step %parallel_loop3A_147  : i32 {
        %parallel_loop3A_157 = arith.constant 128 : i32
        %parallel_loop3A_158 = arith.divsi %parallel_loop3A_156, %parallel_loop3A_157 : i32
        %parallel_loop3A_159 = arith.constant 0 : i32
        %parallel_loop3A_160 = arith.cmpi sgt, %parallel_loop3A_156, %parallel_loop3A_159 : i32
        %parallel_loop3A_161 = arith.extui %parallel_loop3A_160 : i1 to i32
        %parallel_loop3A_162 = arith.constant 0 : i32
        %parallel_loop3A_163 = arith.cmpi slt, %parallel_loop3A_156, %parallel_loop3A_162 : i32
        %parallel_loop3A_164 = arith.extui %parallel_loop3A_163 : i1 to i32
        %parallel_loop3A_165 = arith.subi %parallel_loop3A_161, %parallel_loop3A_164 : i32
        %parallel_loop3A_166 = arith.constant 0 : i32
        %parallel_loop3A_167 = arith.cmpi sgt, %parallel_loop3A_157, %parallel_loop3A_166 : i32
        %parallel_loop3A_168 = arith.extui %parallel_loop3A_167 : i1 to i32
        %parallel_loop3A_169 = arith.constant 0 : i32
        %parallel_loop3A_170 = arith.cmpi slt, %parallel_loop3A_157, %parallel_loop3A_169 : i32
        %parallel_loop3A_171 = arith.extui %parallel_loop3A_170 : i1 to i32
        %parallel_loop3A_172 = arith.subi %parallel_loop3A_168, %parallel_loop3A_171 : i32
        %parallel_loop3A_173 = arith.cmpi ne, %parallel_loop3A_165, %parallel_loop3A_172 : i32
        %parallel_loop3A_174 = arith.remsi %parallel_loop3A_156, %parallel_loop3A_157 : i32
        %parallel_loop3A_175 = arith.constant 0 : i32
        %parallel_loop3A_176 = arith.cmpi ne, %parallel_loop3A_174, %parallel_loop3A_175 : i32
        %parallel_loop3A_177 = arith.andi %parallel_loop3A_173, %parallel_loop3A_176 : i1
        %parallel_loop3A_178 = arith.constant 1 : i32
        %parallel_loop3A_179 = arith.subi %parallel_loop3A_158, %parallel_loop3A_178 : i32
        %parallel_loop3A_180 = arith.select %parallel_loop3A_177, %parallel_loop3A_179, %parallel_loop3A_158 : i32
        %parallel_loop3A_181 = arith.constant 128 : i32
        %parallel_loop3A_182 = arith.muli %parallel_loop3A_180, %parallel_loop3A_181 : i32
        %parallel_loop3A_183 = arith.subi %parallel_loop3A_156, %parallel_loop3A_182 : i32
        %parallel_loop3A_184 = arith.index_cast %parallel_loop3A_156 : i32 to index
        %parallel_loop3A_185 = tpu.vector_load %arg15[%parallel_loop3A_184] {strides = array<i32>} : memref<3328xi32, #tpu.memory_space<vmem>>, vector<16xi32>,
        %parallel_loop3A_186 = arith.index_cast %parallel_loop3A_156 : i32 to index
        %parallel_loop3A_187 = tpu.vector_load %arg16[%parallel_loop3A_186] {strides = array<i32>} : memref<3328xi32, #tpu.memory_space<vmem>>, vector<16xi32>,
        %parallel_loop3A_188 = arith.constant 0 : i32
        %parallel_loop3A_189 = arith.index_cast %parallel_loop3A_180 : i32 to index
        %parallel_loop3A_190 = arith.index_cast %parallel_loop3A_188 : i32 to index
        %parallel_loop3A_191 = arith.index_cast %parallel_loop3A_183 : i32 to index
        %parallel_loop3A_192 = tpu.vector_load %arg17[%parallel_loop3A_189, %parallel_loop3A_190, %parallel_loop3A_191] {strides = array<i32>} : memref<26x4x128xf32, #tpu.memory_space<vmem>>, vector<16xf32>,
        %parallel_loop3A_193 = arith.constant 1 : i32
        %parallel_loop3A_194 = arith.index_cast %parallel_loop3A_180 : i32 to index
        %parallel_loop3A_195 = arith.index_cast %parallel_loop3A_193 : i32 to index
        %parallel_loop3A_196 = arith.index_cast %parallel_loop3A_183 : i32 to index
        %parallel_loop3A_197 = tpu.vector_load %arg17[%parallel_loop3A_194, %parallel_loop3A_195, %parallel_loop3A_196] {strides = array<i32>} : memref<26x4x128xf32, #tpu.memory_space<vmem>>, vector<16xf32>,
        %parallel_loop3A_198 = tpu.vector_load_idx %arg11[%parallel_loop3A_187] : memref<10240xf32, #tpu.memory_space<vmem>>[vector<16xi32>], vector<16xf32>,
        %parallel_loop3A_199 = tpu.vector_load_idx %arg12[%parallel_loop3A_187] : memref<10240xf32, #tpu.memory_space<vmem>>[vector<16xi32>], vector<16xf32>,
        %parallel_loop3A_200 = tpu.vector_load_idx %arg11[%parallel_loop3A_185] : memref<10240xf32, #tpu.memory_space<vmem>>[vector<16xi32>], vector<16xf32>,
        %parallel_loop3A_201 = tpu.vector_load_idx %arg12[%parallel_loop3A_185] : memref<10240xf32, #tpu.memory_space<vmem>>[vector<16xi32>], vector<16xf32>,
        %parallel_loop3A_202 = arith.subf %parallel_loop3A_198, %parallel_loop3A_200 : vector<16xf32>
        %parallel_loop3A_203 = arith.subf %parallel_loop3A_199, %parallel_loop3A_201 : vector<16xf32>
        %parallel_loop3A_204 = arith.mulf %parallel_loop3A_192, %parallel_loop3A_202 : vector<16xf32>
        %parallel_loop3A_205 = arith.mulf %parallel_loop3A_197, %parallel_loop3A_203 : vector<16xf32>
        %parallel_loop3A_206 = arith.subf %parallel_loop3A_204, %parallel_loop3A_205 : vector<16xf32>
        %parallel_loop3A_207 = arith.mulf %parallel_loop3A_192, %parallel_loop3A_203 : vector<16xf32>
        %parallel_loop3A_208 = arith.mulf %parallel_loop3A_197, %parallel_loop3A_202 : vector<16xf32>
        %parallel_loop3A_209 = arith.addf %parallel_loop3A_207, %parallel_loop3A_208 : vector<16xf32>
        %parallel_loop3A_210 = arith.constant 2 : i32
        %parallel_loop3A_211 = arith.muli %parallel_loop3A_180, %parallel_loop3A_210 : i32
        %parallel_loop3A_212 = arith.constant 128 : i32
        %parallel_loop3A_213 = arith.muli %parallel_loop3A_211, %parallel_loop3A_212 : i32
        %parallel_loop3A_214 = arith.addi %parallel_loop3A_213, %parallel_loop3A_183 : i32
        %parallel_loop3A_215 = arith.index_cast %parallel_loop3A_214 : i32 to index
        %parallel_loop3A_216 = tpu.vector_load %arg19[%parallel_loop3A_215] {strides = array<i32>} : memref<6656xf32, #tpu.memory_space<vmem>>, vector<16xf32>,
        tpu.vector_store %arg19[%parallel_loop3A_215], %parallel_loop3A_202 {strides = array<i32>} : memref<6656xf32, #tpu.memory_space<vmem>>, vector<16xf32>,
        %parallel_loop3A_217 = arith.constant 128 : i32
        %parallel_loop3A_218 = arith.addi %parallel_loop3A_214, %parallel_loop3A_217 : i32
        %parallel_loop3A_219 = arith.index_cast %parallel_loop3A_218 : i32 to index
        %parallel_loop3A_220 = tpu.vector_load %arg19[%parallel_loop3A_219] {strides = array<i32>} : memref<6656xf32, #tpu.memory_space<vmem>>, vector<16xf32>,
        tpu.vector_store %arg19[%parallel_loop3A_219], %parallel_loop3A_203 {strides = array<i32>} : memref<6656xf32, #tpu.memory_space<vmem>>, vector<16xf32>,
        %parallel_loop3A_221 = arith.index_cast %parallel_loop3A_214 : i32 to index
        %parallel_loop3A_222 = tpu.vector_load %arg18[%parallel_loop3A_221] {strides = array<i32>} : memref<6656xf32, #tpu.memory_space<vmem>>, vector<16xf32>,
        tpu.vector_store %arg18[%parallel_loop3A_221], %parallel_loop3A_206 {strides = array<i32>} : memref<6656xf32, #tpu.memory_space<vmem>>, vector<16xf32>,
        %parallel_loop3A_223 = arith.constant 128 : i32
        %parallel_loop3A_224 = arith.addi %parallel_loop3A_214, %parallel_loop3A_223 : i32
        %parallel_loop3A_225 = arith.index_cast %parallel_loop3A_224 : i32 to index
        %parallel_loop3A_226 = tpu.vector_load %arg18[%parallel_loop3A_225] {strides = array<i32>} : memref<6656xf32, #tpu.memory_space<vmem>>, vector<16xf32>,
        tpu.vector_store %arg18[%parallel_loop3A_225], %parallel_loop3A_209 {strides = array<i32>} : memref<6656xf32, #tpu.memory_space<vmem>>, vector<16xf32>,
        tpu.vector_store_idx %arg13[%parallel_loop3A_187], %parallel_loop3A_206 {add = true} : memref<20480xf32, #tpu.memory_space<vmem>>[vector<16xi32>], vector<16xf32>,
        %parallel_loop3A_227 = arith.constant 10240 : i32
        %parallel_loop3A_228 = vector.broadcast %parallel_loop3A_227 : i32 to vector<16xi32>
        %parallel_loop3A_229 = arith.addi %parallel_loop3A_187, %parallel_loop3A_228 : vector<16xi32>
        tpu.vector_store_idx %arg13[%parallel_loop3A_229], %parallel_loop3A_209 {add = true} : memref<20480xf32, #tpu.memory_space<vmem>>[vector<16xi32>], vector<16xf32>,
        %parallel_loop3A_230 = arith.constant 0.000000e+00 : f32
        %parallel_loop3A_231 = vector.broadcast %parallel_loop3A_230 : f32 to vector<16xf32>
        %parallel_loop3A_232 = arith.subf %parallel_loop3A_231, %parallel_loop3A_206 : vector<16xf32>
        tpu.vector_store_idx %arg13[%parallel_loop3A_185], %parallel_loop3A_232 {add = true} : memref<20480xf32, #tpu.memory_space<vmem>>[vector<16xi32>], vector<16xf32>,
        %parallel_loop3A_233 = arith.constant 10240 : i32
        %parallel_loop3A_234 = vector.broadcast %parallel_loop3A_233 : i32 to vector<16xi32>
        %parallel_loop3A_235 = arith.addi %parallel_loop3A_185, %parallel_loop3A_234 : vector<16xi32>
        %parallel_loop3A_236 = arith.constant 0.000000e+00 : f32
        %parallel_loop3A_237 = vector.broadcast %parallel_loop3A_236 : f32 to vector<16xf32>
        %parallel_loop3A_238 = arith.subf %parallel_loop3A_237, %parallel_loop3A_209 : vector<16xf32>
        tpu.vector_store_idx %arg13[%parallel_loop3A_235], %parallel_loop3A_238 {add = true} : memref<20480xf32, #tpu.memory_space<vmem>>[vector<16xi32>], vector<16xf32>,
      } {sc.loop_unroll_factor = 4 : i64, sc.parallel_access}
      %mul3A_148 = arith.constant 2 : i32
      %mul3A_149 = arith.muli %add3A_142, %mul3A_148 : i32
      %mul3A_150 = arith.constant 128 : i32
      %mul3A_151 = arith.muli %mul3A_149, %mul3A_150 : i32
      "tpu.region"() ({
        %run_scoped3A = tpu.sem_alloc : memref<!tpu.dma_semaphore, #tpu.memory_space<semaphore_mem>>
        %dma_start3A_156 = arith.constant 0 : i32
        %dma_start3A_157 = tpu.memref_slice %arg18[%dma_start3A_156] : memref<6656xf32, #tpu.memory_space<vmem>> -> memref<256xf32, #tpu.memory_space<vmem>>
        %dma_start3A_158 = tpu.memref_slice %arg8[%mul3A_151] : memref<640000xf32, #tpu.memory_space<hbm>> -> memref<256xf32, #tpu.memory_space<hbm>>
        %dma_start3A_159 = tpu.memref_slice %arg8[%mul3A_151] : memref<640000xf32, #tpu.memory_space<hbm>> -> memref<256xf32, #tpu.memory_space<hbm>>
        %dma_start3A_160 = arith.constant 0 : i32
        %dma_start3A_161 = tpu.memref_slice %arg18[%dma_start3A_160] : memref<6656xf32, #tpu.memory_space<vmem>> -> memref<256xf32, #tpu.memory_space<vmem>>
        tpu.enqueue_dma source(%dma_start3A_161 : memref<256xf32, #tpu.memory_space<vmem>>) target(%dma_start3A_159 : memref<256xf32, #tpu.memory_space<hbm>>) target_semaphore(%run_scoped3A : memref<!tpu.dma_semaphore, #tpu.memory_space<semaphore_mem>>)
        %dma_wait3A_162 = arith.constant 0 : i32
        %dma_wait3A_163 = tpu.memref_slice %arg18[%dma_wait3A_162] : memref<6656xf32, #tpu.memory_space<vmem>> -> memref<256xf32, #tpu.memory_space<vmem>>
        %dma_wait3A_164 = tpu.memref_slice %arg8[%mul3A_151] : memref<640000xf32, #tpu.memory_space<hbm>> -> memref<256xf32, #tpu.memory_space<hbm>>
        %dma_wait3A_165 = tpu.memref_slice %arg8[%mul3A_151] : memref<640000xf32, #tpu.memory_space<hbm>> -> memref<256xf32, #tpu.memory_space<hbm>>
        %dma_wait3A_166 = arith.constant 0 : i32
        %dma_wait3A_167 = tpu.memref_slice %arg18[%dma_wait3A_166] : memref<6656xf32, #tpu.memory_space<vmem>> -> memref<256xf32, #tpu.memory_space<vmem>>
        tpu.wait_dma2 semaphore(%run_scoped3A : memref<!tpu.dma_semaphore, #tpu.memory_space<semaphore_mem>>) src(%dma_wait3A_167 : memref<256xf32, #tpu.memory_space<vmem>>) dst(%dma_wait3A_165 : memref<256xf32, #tpu.memory_space<hbm>>)
        tpu.yield
      }) : () -> ()
      %mul3A_152 = arith.constant 2 : i32
      %mul3A_153 = arith.muli %add3A_142, %mul3A_152 : i32
      %mul3A_154 = arith.constant 128 : i32
      %mul3A_155 = arith.muli %mul3A_153, %mul3A_154 : i32
      "tpu.region"() ({
        %run_scoped3A = tpu.sem_alloc : memref<!tpu.dma_semaphore, #tpu.memory_space<semaphore_mem>>
        %dma_start3A_156 = arith.constant 0 : i32
        %dma_start3A_157 = tpu.memref_slice %arg19[%dma_start3A_156] : memref<6656xf32, #tpu.memory_space<vmem>> -> memref<256xf32, #tpu.memory_space<vmem>>
        %dma_start3A_158 = tpu.memref_slice %arg9[%mul3A_155] : memref<640000xf32, #tpu.memory_space<hbm>> -> memref<256xf32, #tpu.memory_space<hbm>>
        %dma_start3A_159 = tpu.memref_slice %arg9[%mul3A_155] : memref<640000xf32, #tpu.memory_space<hbm>> -> memref<256xf32, #tpu.memory_space<hbm>>
        %dma_start3A_160 = arith.constant 0 : i32
        %dma_start3A_161 = tpu.memref_slice %arg19[%dma_start3A_160] : memref<6656xf32, #tpu.memory_space<vmem>> -> memref<256xf32, #tpu.memory_space<vmem>>
        tpu.enqueue_dma source(%dma_start3A_161 : memref<256xf32, #tpu.memory_space<vmem>>) target(%dma_start3A_159 : memref<256xf32, #tpu.memory_space<hbm>>) target_semaphore(%run_scoped3A : memref<!tpu.dma_semaphore, #tpu.memory_space<semaphore_mem>>)
        %dma_wait3A_162 = arith.constant 0 : i32
        %dma_wait3A_163 = tpu.memref_slice %arg19[%dma_wait3A_162] : memref<6656xf32, #tpu.memory_space<vmem>> -> memref<256xf32, #tpu.memory_space<vmem>>
        %dma_wait3A_164 = tpu.memref_slice %arg9[%mul3A_155] : memref<640000xf32, #tpu.memory_space<hbm>> -> memref<256xf32, #tpu.memory_space<hbm>>
        %dma_wait3A_165 = tpu.memref_slice %arg9[%mul3A_155] : memref<640000xf32, #tpu.memory_space<hbm>> -> memref<256xf32, #tpu.memory_space<hbm>>
        %dma_wait3A_166 = arith.constant 0 : i32
        %dma_wait3A_167 = tpu.memref_slice %arg19[%dma_wait3A_166] : memref<6656xf32, #tpu.memory_space<vmem>> -> memref<256xf32, #tpu.memory_space<vmem>>
        tpu.wait_dma2 semaphore(%run_scoped3A : memref<!tpu.dma_semaphore, #tpu.memory_space<semaphore_mem>>) src(%dma_wait3A_167 : memref<256xf32, #tpu.memory_space<vmem>>) dst(%dma_wait3A_165 : memref<256xf32, #tpu.memory_space<hbm>>)
        tpu.yield
      }) : () -> ()
    } else {
    }
    %mul3A_139 = arith.constant 20480 : i32
    %mul3A_140 = arith.muli %add3A, %mul3A_139 : i32
    "tpu.region"() ({
      %run_scoped3A = tpu.sem_alloc : memref<!tpu.dma_semaphore, #tpu.memory_space<semaphore_mem>>
      %dma_start3A_141 = tpu.memref_slice %arg10[%mul3A_140] : memref<655360xf32, #tpu.memory_space<hbm>> -> memref<20480xf32, #tpu.memory_space<hbm>>
      %dma_start3A_142 = tpu.memref_slice %arg10[%mul3A_140] : memref<655360xf32, #tpu.memory_space<hbm>> -> memref<20480xf32, #tpu.memory_space<hbm>>
      tpu.enqueue_dma source(%arg13 : memref<20480xf32, #tpu.memory_space<vmem>>) target(%dma_start3A_142 : memref<20480xf32, #tpu.memory_space<hbm>>) target_semaphore(%run_scoped3A : memref<!tpu.dma_semaphore, #tpu.memory_space<semaphore_mem>>)
      %dma_wait3A_143 = tpu.memref_slice %arg10[%mul3A_140] : memref<655360xf32, #tpu.memory_space<hbm>> -> memref<20480xf32, #tpu.memory_space<hbm>>
      %dma_wait3A_144 = tpu.memref_slice %arg10[%mul3A_140] : memref<655360xf32, #tpu.memory_space<hbm>> -> memref<20480xf32, #tpu.memory_space<hbm>>
      tpu.wait_dma2 semaphore(%run_scoped3A : memref<!tpu.dma_semaphore, #tpu.memory_space<semaphore_mem>>) src(%arg13 : memref<20480xf32, #tpu.memory_space<vmem>>) dst(%dma_wait3A_144 : memref<20480xf32, #tpu.memory_space<hbm>>)
      tpu.yield
    }) : () -> ()
    return
  }
}

module attributes {stable_mosaic.version = 14 : i64} {
  func.func @body(%arg0: i32, %arg1: memref<2048x128xf32, #tpu.memory_space<vmem>>, %arg2: memref<2048xf32, #tpu.memory_space<vmem>>, %arg3: memref<2048xf32, #tpu.memory_space<vmem>>) attributes {dimension_semantics = [#tpu.dimension_semantics<arbitrary>], iteration_bounds = array<i64: 5>, scalar_prefetch = 0 : i64, scratch_operands = 0 : i64, tpu.core_type = #tpu.core_type<tc>, window_params = [{transform_indices = @transform_0, window_bounds = array<i64: 2048, 128>}, {transform_indices = @transform_1, window_bounds = array<i64: 2048>}, {transform_indices = @transform_2, window_bounds = array<i64: 2048>}]} {
    %iota3A = tpu.iota {dimensions = array<i32: 0>} : vector<2x128xi32>
    %iota3A_0 = tpu.iota {dimensions = array<i32: 1>} : vector<2x128xi32>
    %eq3A = arith.cmpi eq, %iota3A, %iota3A_0 : vector<2x128xi32>
    %convert_element_type3A = arith.extui %eq3A : vector<2x128xi1> to vector<2x128xi32>
    %convert_element_type3A_1 = arith.sitofp %convert_element_type3A : vector<2x128xi32> to vector<2x128xf32>
    %get3A = arith.constant 0 : index
    %get3A_2 = arith.constant 0 : index
    %get3A_3 = vector.load %arg1[%get3A, %get3A_2] : memref<2048x128xf32, #tpu.memory_space<vmem>>, vector<2048x128xf32>
    %dot_general3A = arith.constant dense<0.000000e+00> : vector<2x2048xf32>
    %dot_general3A_4 = tpu.matmul %convert_element_type3A_1, %get3A_3, %dot_general3A {dimension_numbers = #tpu.dot_dimension_numbers<[1], [1], [0], [0], [0, 0, 1, 0], [], []>, precision = #tpu.contract_precision<fp32>, transpose_lhs_hint = false} : vector<2x128xf32>, vector<2048x128xf32>, vector<2x2048xf32> -> vector<2x2048xf32>
    %slice3A = vector.extract_strided_slice %dot_general3A_4 {offsets = [0, 0], sizes = [1, 2048], strides = [1, 1]} : vector<2x2048xf32> to vector<1x2048xf32>
    %squeeze3A = vector.shape_cast %slice3A : vector<1x2048xf32> to vector<2048xf32>
    %swap3A = arith.constant 0 : index
    %swap3A_5 = vector.load %arg2[%swap3A] : memref<2048xf32, #tpu.memory_space<vmem>>, vector<2048xf32>
    tpu.vector_store %arg2[%swap3A], %squeeze3A {strides = array<i32>} : memref<2048xf32, #tpu.memory_space<vmem>>, vector<2048xf32>,
    %slice3A_6 = vector.extract_strided_slice %dot_general3A_4 {offsets = [1, 0], sizes = [1, 2048], strides = [1, 1]} : vector<2x2048xf32> to vector<1x2048xf32>
    %squeeze3A_7 = vector.shape_cast %slice3A_6 : vector<1x2048xf32> to vector<2048xf32>
    %swap3A_8 = arith.constant 0 : index
    %swap3A_9 = vector.load %arg3[%swap3A_8] : memref<2048xf32, #tpu.memory_space<vmem>>, vector<2048xf32>
    tpu.vector_store %arg3[%swap3A_8], %squeeze3A_7 {strides = array<i32>} : memref<2048xf32, #tpu.memory_space<vmem>>, vector<2048xf32>,
    return
  }
  func.func @transform_0(%arg0: i32) -> (i32, i32) {
    %c0_i32 = arith.constant 0 : i32
    %c0_i32_0 = arith.constant 0 : i32
    return %arg0, %c0_i32 : i32, i32
  }
  func.func @transform_1(%arg0: i32) -> i32 {
    %c0_i32 = arith.constant 0 : i32
    return %arg0 : i32
  }
  func.func @transform_2(%arg0: i32) -> i32 {
    %c0_i32 = arith.constant 0 : i32
    return %arg0 : i32
  }
}

module attributes {stable_mosaic.version = 14 : i64} {
  func.func @body(%arg0: i32, %arg1: memref<2048x128xf32, #tpu.memory_space<vmem>>, %arg2: memref<655360xf32, #tpu.memory_space<vmem>>, %arg3: memref<128x128xf32, #tpu.memory_space<vmem>>, %arg4: memref<2x128xf32, #tpu.memory_space<vmem>>, %arg5: memref<1x128xf32, #tpu.memory_space<vmem>>, %arg6: memref<2048x128xf32, #tpu.memory_space<vmem>>) attributes {dimension_semantics = [#tpu.dimension_semantics<arbitrary>], iteration_bounds = array<i64: 5>, scalar_prefetch = 0 : i64, scratch_operands = 0 : i64, tpu.core_type = #tpu.core_type<tc>, window_params = [{transform_indices = @transform_0, window_bounds = array<i64: 2048, 128>}, {pipeline_mode = #tpu.pipeline_mode<synchronous>, transform_indices = @transform_1, window_bounds = array<i64: 655360>}, {pipeline_mode = #tpu.pipeline_mode<synchronous>, transform_indices = @transform_2, window_bounds = array<i64: 128, 128>}, {pipeline_mode = #tpu.pipeline_mode<synchronous>, transform_indices = @transform_3, window_bounds = array<i64: 2, 128>}, {pipeline_mode = #tpu.pipeline_mode<synchronous>, transform_indices = @transform_4, window_bounds = array<i64: 1, 128>}, {transform_indices = @transform_5, window_bounds = array<i64: 2048, 128>}]} {
    %broadcast_in_dim3A = arith.constant 0.000000e+00 : f32
    %broadcast_in_dim3A_0 = vector.broadcast %broadcast_in_dim3A : f32 to vector<2048xf32>
    %broadcast_in_dim3A_1 = arith.constant 0.000000e+00 : f32
    %broadcast_in_dim3A_2 = vector.broadcast %broadcast_in_dim3A_1 : f32 to vector<2048xf32>
    %mul3A = arith.constant 2048 : i32
    %mul3A_3 = arith.muli %arg0, %mul3A : i32
    %add3A = arith.constant 0 : i32
    %add3A_4 = arith.addi %add3A, %mul3A_3 : i32
    %get3A = arith.index_cast %add3A_4 : i32 to index
    %get3A_5 = vector.load %arg2[%get3A] : memref<655360xf32, #tpu.memory_space<vmem>>, vector<2048xf32>
    %add3A_6 = arith.addf %broadcast_in_dim3A_0, %get3A_5 : vector<2048xf32>
    %mul3A_7 = arith.constant 2048 : i32
    %mul3A_8 = arith.muli %arg0, %mul3A_7 : i32
    %add3A_9 = arith.constant 10240 : i32
    %add3A_10 = arith.addi %add3A_9, %mul3A_8 : i32
    %get3A_11 = arith.index_cast %add3A_10 : i32 to index
    %get3A_12 = vector.load %arg2[%get3A_11] : memref<655360xf32, #tpu.memory_space<vmem>>, vector<2048xf32>
    %add3A_13 = arith.addf %broadcast_in_dim3A_2, %get3A_12 : vector<2048xf32>
    %mul3A_14 = arith.constant 2048 : i32
    %mul3A_15 = arith.muli %arg0, %mul3A_14 : i32
    %add3A_16 = arith.constant 20480 : i32
    %add3A_17 = arith.addi %add3A_16, %mul3A_15 : i32
    %get3A_18 = arith.index_cast %add3A_17 : i32 to index
    %get3A_19 = vector.load %arg2[%get3A_18] : memref<655360xf32, #tpu.memory_space<vmem>>, vector<2048xf32>
    %add3A_20 = arith.addf %add3A_6, %get3A_19 : vector<2048xf32>
    %mul3A_21 = arith.constant 2048 : i32
    %mul3A_22 = arith.muli %arg0, %mul3A_21 : i32
    %add3A_23 = arith.constant 30720 : i32
    %add3A_24 = arith.addi %add3A_23, %mul3A_22 : i32
    %get3A_25 = arith.index_cast %add3A_24 : i32 to index
    %get3A_26 = vector.load %arg2[%get3A_25] : memref<655360xf32, #tpu.memory_space<vmem>>, vector<2048xf32>
    %add3A_27 = arith.addf %add3A_13, %get3A_26 : vector<2048xf32>
    %mul3A_28 = arith.constant 2048 : i32
    %mul3A_29 = arith.muli %arg0, %mul3A_28 : i32
    %add3A_30 = arith.constant 40960 : i32
    %add3A_31 = arith.addi %add3A_30, %mul3A_29 : i32
    %get3A_32 = arith.index_cast %add3A_31 : i32 to index
    %get3A_33 = vector.load %arg2[%get3A_32] : memref<655360xf32, #tpu.memory_space<vmem>>, vector<2048xf32>
    %add3A_34 = arith.addf %add3A_20, %get3A_33 : vector<2048xf32>
    %mul3A_35 = arith.constant 2048 : i32
    %mul3A_36 = arith.muli %arg0, %mul3A_35 : i32
    %add3A_37 = arith.constant 51200 : i32
    %add3A_38 = arith.addi %add3A_37, %mul3A_36 : i32
    %get3A_39 = arith.index_cast %add3A_38 : i32 to index
    %get3A_40 = vector.load %arg2[%get3A_39] : memref<655360xf32, #tpu.memory_space<vmem>>, vector<2048xf32>
    %add3A_41 = arith.addf %add3A_27, %get3A_40 : vector<2048xf32>
    %mul3A_42 = arith.constant 2048 : i32
    %mul3A_43 = arith.muli %arg0, %mul3A_42 : i32
    %add3A_44 = arith.constant 61440 : i32
    %add3A_45 = arith.addi %add3A_44, %mul3A_43 : i32
    %get3A_46 = arith.index_cast %add3A_45 : i32 to index
    %get3A_47 = vector.load %arg2[%get3A_46] : memref<655360xf32, #tpu.memory_space<vmem>>, vector<2048xf32>
    %add3A_48 = arith.addf %add3A_34, %get3A_47 : vector<2048xf32>
    %mul3A_49 = arith.constant 2048 : i32
    %mul3A_50 = arith.muli %arg0, %mul3A_49 : i32
    %add3A_51 = arith.constant 71680 : i32
    %add3A_52 = arith.addi %add3A_51, %mul3A_50 : i32
    %get3A_53 = arith.index_cast %add3A_52 : i32 to index
    %get3A_54 = vector.load %arg2[%get3A_53] : memref<655360xf32, #tpu.memory_space<vmem>>, vector<2048xf32>
    %add3A_55 = arith.addf %add3A_41, %get3A_54 : vector<2048xf32>
    %mul3A_56 = arith.constant 2048 : i32
    %mul3A_57 = arith.muli %arg0, %mul3A_56 : i32
    %add3A_58 = arith.constant 81920 : i32
    %add3A_59 = arith.addi %add3A_58, %mul3A_57 : i32
    %get3A_60 = arith.index_cast %add3A_59 : i32 to index
    %get3A_61 = vector.load %arg2[%get3A_60] : memref<655360xf32, #tpu.memory_space<vmem>>, vector<2048xf32>
    %add3A_62 = arith.addf %add3A_48, %get3A_61 : vector<2048xf32>
    %mul3A_63 = arith.constant 2048 : i32
    %mul3A_64 = arith.muli %arg0, %mul3A_63 : i32
    %add3A_65 = arith.constant 92160 : i32
    %add3A_66 = arith.addi %add3A_65, %mul3A_64 : i32
    %get3A_67 = arith.index_cast %add3A_66 : i32 to index
    %get3A_68 = vector.load %arg2[%get3A_67] : memref<655360xf32, #tpu.memory_space<vmem>>, vector<2048xf32>
    %add3A_69 = arith.addf %add3A_55, %get3A_68 : vector<2048xf32>
    %mul3A_70 = arith.constant 2048 : i32
    %mul3A_71 = arith.muli %arg0, %mul3A_70 : i32
    %add3A_72 = arith.constant 102400 : i32
    %add3A_73 = arith.addi %add3A_72, %mul3A_71 : i32
    %get3A_74 = arith.index_cast %add3A_73 : i32 to index
    %get3A_75 = vector.load %arg2[%get3A_74] : memref<655360xf32, #tpu.memory_space<vmem>>, vector<2048xf32>
    %add3A_76 = arith.addf %add3A_62, %get3A_75 : vector<2048xf32>
    %mul3A_77 = arith.constant 2048 : i32
    %mul3A_78 = arith.muli %arg0, %mul3A_77 : i32
    %add3A_79 = arith.constant 112640 : i32
    %add3A_80 = arith.addi %add3A_79, %mul3A_78 : i32
    %get3A_81 = arith.index_cast %add3A_80 : i32 to index
    %get3A_82 = vector.load %arg2[%get3A_81] : memref<655360xf32, #tpu.memory_space<vmem>>, vector<2048xf32>
    %add3A_83 = arith.addf %add3A_69, %get3A_82 : vector<2048xf32>
    %mul3A_84 = arith.constant 2048 : i32
    %mul3A_85 = arith.muli %arg0, %mul3A_84 : i32
    %add3A_86 = arith.constant 122880 : i32
    %add3A_87 = arith.addi %add3A_86, %mul3A_85 : i32
    %get3A_88 = arith.index_cast %add3A_87 : i32 to index
    %get3A_89 = vector.load %arg2[%get3A_88] : memref<655360xf32, #tpu.memory_space<vmem>>, vector<2048xf32>
    %add3A_90 = arith.addf %add3A_76, %get3A_89 : vector<2048xf32>
    %mul3A_91 = arith.constant 2048 : i32
    %mul3A_92 = arith.muli %arg0, %mul3A_91 : i32
    %add3A_93 = arith.constant 133120 : i32
    %add3A_94 = arith.addi %add3A_93, %mul3A_92 : i32
    %get3A_95 = arith.index_cast %add3A_94 : i32 to index
    %get3A_96 = vector.load %arg2[%get3A_95] : memref<655360xf32, #tpu.memory_space<vmem>>, vector<2048xf32>
    %add3A_97 = arith.addf %add3A_83, %get3A_96 : vector<2048xf32>
    %mul3A_98 = arith.constant 2048 : i32
    %mul3A_99 = arith.muli %arg0, %mul3A_98 : i32
    %add3A_100 = arith.constant 143360 : i32
    %add3A_101 = arith.addi %add3A_100, %mul3A_99 : i32
    %get3A_102 = arith.index_cast %add3A_101 : i32 to index
    %get3A_103 = vector.load %arg2[%get3A_102] : memref<655360xf32, #tpu.memory_space<vmem>>, vector<2048xf32>
    %add3A_104 = arith.addf %add3A_90, %get3A_103 : vector<2048xf32>
    %mul3A_105 = arith.constant 2048 : i32
    %mul3A_106 = arith.muli %arg0, %mul3A_105 : i32
    %add3A_107 = arith.constant 153600 : i32
    %add3A_108 = arith.addi %add3A_107, %mul3A_106 : i32
    %get3A_109 = arith.index_cast %add3A_108 : i32 to index
    %get3A_110 = vector.load %arg2[%get3A_109] : memref<655360xf32, #tpu.memory_space<vmem>>, vector<2048xf32>
    %add3A_111 = arith.addf %add3A_97, %get3A_110 : vector<2048xf32>
    %mul3A_112 = arith.constant 2048 : i32
    %mul3A_113 = arith.muli %arg0, %mul3A_112 : i32
    %add3A_114 = arith.constant 163840 : i32
    %add3A_115 = arith.addi %add3A_114, %mul3A_113 : i32
    %get3A_116 = arith.index_cast %add3A_115 : i32 to index
    %get3A_117 = vector.load %arg2[%get3A_116] : memref<655360xf32, #tpu.memory_space<vmem>>, vector<2048xf32>
    %add3A_118 = arith.addf %add3A_104, %get3A_117 : vector<2048xf32>
    %mul3A_119 = arith.constant 2048 : i32
    %mul3A_120 = arith.muli %arg0, %mul3A_119 : i32
    %add3A_121 = arith.constant 174080 : i32
    %add3A_122 = arith.addi %add3A_121, %mul3A_120 : i32
    %get3A_123 = arith.index_cast %add3A_122 : i32 to index
    %get3A_124 = vector.load %arg2[%get3A_123] : memref<655360xf32, #tpu.memory_space<vmem>>, vector<2048xf32>
    %add3A_125 = arith.addf %add3A_111, %get3A_124 : vector<2048xf32>
    %mul3A_126 = arith.constant 2048 : i32
    %mul3A_127 = arith.muli %arg0, %mul3A_126 : i32
    %add3A_128 = arith.constant 184320 : i32
    %add3A_129 = arith.addi %add3A_128, %mul3A_127 : i32
    %get3A_130 = arith.index_cast %add3A_129 : i32 to index
    %get3A_131 = vector.load %arg2[%get3A_130] : memref<655360xf32, #tpu.memory_space<vmem>>, vector<2048xf32>
    %add3A_132 = arith.addf %add3A_118, %get3A_131 : vector<2048xf32>
    %mul3A_133 = arith.constant 2048 : i32
    %mul3A_134 = arith.muli %arg0, %mul3A_133 : i32
    %add3A_135 = arith.constant 194560 : i32
    %add3A_136 = arith.addi %add3A_135, %mul3A_134 : i32
    %get3A_137 = arith.index_cast %add3A_136 : i32 to index
    %get3A_138 = vector.load %arg2[%get3A_137] : memref<655360xf32, #tpu.memory_space<vmem>>, vector<2048xf32>
    %add3A_139 = arith.addf %add3A_125, %get3A_138 : vector<2048xf32>
    %mul3A_140 = arith.constant 2048 : i32
    %mul3A_141 = arith.muli %arg0, %mul3A_140 : i32
    %add3A_142 = arith.constant 204800 : i32
    %add3A_143 = arith.addi %add3A_142, %mul3A_141 : i32
    %get3A_144 = arith.index_cast %add3A_143 : i32 to index
    %get3A_145 = vector.load %arg2[%get3A_144] : memref<655360xf32, #tpu.memory_space<vmem>>, vector<2048xf32>
    %add3A_146 = arith.addf %add3A_132, %get3A_145 : vector<2048xf32>
    %mul3A_147 = arith.constant 2048 : i32
    %mul3A_148 = arith.muli %arg0, %mul3A_147 : i32
    %add3A_149 = arith.constant 215040 : i32
    %add3A_150 = arith.addi %add3A_149, %mul3A_148 : i32
    %get3A_151 = arith.index_cast %add3A_150 : i32 to index
    %get3A_152 = vector.load %arg2[%get3A_151] : memref<655360xf32, #tpu.memory_space<vmem>>, vector<2048xf32>
    %add3A_153 = arith.addf %add3A_139, %get3A_152 : vector<2048xf32>
    %mul3A_154 = arith.constant 2048 : i32
    %mul3A_155 = arith.muli %arg0, %mul3A_154 : i32
    %add3A_156 = arith.constant 225280 : i32
    %add3A_157 = arith.addi %add3A_156, %mul3A_155 : i32
    %get3A_158 = arith.index_cast %add3A_157 : i32 to index
    %get3A_159 = vector.load %arg2[%get3A_158] : memref<655360xf32, #tpu.memory_space<vmem>>, vector<2048xf32>
    %add3A_160 = arith.addf %add3A_146, %get3A_159 : vector<2048xf32>
    %mul3A_161 = arith.constant 2048 : i32
    %mul3A_162 = arith.muli %arg0, %mul3A_161 : i32
    %add3A_163 = arith.constant 235520 : i32
    %add3A_164 = arith.addi %add3A_163, %mul3A_162 : i32
    %get3A_165 = arith.index_cast %add3A_164 : i32 to index
    %get3A_166 = vector.load %arg2[%get3A_165] : memref<655360xf32, #tpu.memory_space<vmem>>, vector<2048xf32>
    %add3A_167 = arith.addf %add3A_153, %get3A_166 : vector<2048xf32>
    %mul3A_168 = arith.constant 2048 : i32
    %mul3A_169 = arith.muli %arg0, %mul3A_168 : i32
    %add3A_170 = arith.constant 245760 : i32
    %add3A_171 = arith.addi %add3A_170, %mul3A_169 : i32
    %get3A_172 = arith.index_cast %add3A_171 : i32 to index
    %get3A_173 = vector.load %arg2[%get3A_172] : memref<655360xf32, #tpu.memory_space<vmem>>, vector<2048xf32>
    %add3A_174 = arith.addf %add3A_160, %get3A_173 : vector<2048xf32>
    %mul3A_175 = arith.constant 2048 : i32
    %mul3A_176 = arith.muli %arg0, %mul3A_175 : i32
    %add3A_177 = arith.constant 256000 : i32
    %add3A_178 = arith.addi %add3A_177, %mul3A_176 : i32
    %get3A_179 = arith.index_cast %add3A_178 : i32 to index
    %get3A_180 = vector.load %arg2[%get3A_179] : memref<655360xf32, #tpu.memory_space<vmem>>, vector<2048xf32>
    %add3A_181 = arith.addf %add3A_167, %get3A_180 : vector<2048xf32>
    %mul3A_182 = arith.constant 2048 : i32
    %mul3A_183 = arith.muli %arg0, %mul3A_182 : i32
    %add3A_184 = arith.constant 266240 : i32
    %add3A_185 = arith.addi %add3A_184, %mul3A_183 : i32
    %get3A_186 = arith.index_cast %add3A_185 : i32 to index
    %get3A_187 = vector.load %arg2[%get3A_186] : memref<655360xf32, #tpu.memory_space<vmem>>, vector<2048xf32>
    %add3A_188 = arith.addf %add3A_174, %get3A_187 : vector<2048xf32>
    %mul3A_189 = arith.constant 2048 : i32
    %mul3A_190 = arith.muli %arg0, %mul3A_189 : i32
    %add3A_191 = arith.constant 276480 : i32
    %add3A_192 = arith.addi %add3A_191, %mul3A_190 : i32
    %get3A_193 = arith.index_cast %add3A_192 : i32 to index
    %get3A_194 = vector.load %arg2[%get3A_193] : memref<655360xf32, #tpu.memory_space<vmem>>, vector<2048xf32>
    %add3A_195 = arith.addf %add3A_181, %get3A_194 : vector<2048xf32>
    %mul3A_196 = arith.constant 2048 : i32
    %mul3A_197 = arith.muli %arg0, %mul3A_196 : i32
    %add3A_198 = arith.constant 286720 : i32
    %add3A_199 = arith.addi %add3A_198, %mul3A_197 : i32
    %get3A_200 = arith.index_cast %add3A_199 : i32 to index
    %get3A_201 = vector.load %arg2[%get3A_200] : memref<655360xf32, #tpu.memory_space<vmem>>, vector<2048xf32>
    %add3A_202 = arith.addf %add3A_188, %get3A_201 : vector<2048xf32>
    %mul3A_203 = arith.constant 2048 : i32
    %mul3A_204 = arith.muli %arg0, %mul3A_203 : i32
    %add3A_205 = arith.constant 296960 : i32
    %add3A_206 = arith.addi %add3A_205, %mul3A_204 : i32
    %get3A_207 = arith.index_cast %add3A_206 : i32 to index
    %get3A_208 = vector.load %arg2[%get3A_207] : memref<655360xf32, #tpu.memory_space<vmem>>, vector<2048xf32>
    %add3A_209 = arith.addf %add3A_195, %get3A_208 : vector<2048xf32>
    %mul3A_210 = arith.constant 2048 : i32
    %mul3A_211 = arith.muli %arg0, %mul3A_210 : i32
    %add3A_212 = arith.constant 307200 : i32
    %add3A_213 = arith.addi %add3A_212, %mul3A_211 : i32
    %get3A_214 = arith.index_cast %add3A_213 : i32 to index
    %get3A_215 = vector.load %arg2[%get3A_214] : memref<655360xf32, #tpu.memory_space<vmem>>, vector<2048xf32>
    %add3A_216 = arith.addf %add3A_202, %get3A_215 : vector<2048xf32>
    %mul3A_217 = arith.constant 2048 : i32
    %mul3A_218 = arith.muli %arg0, %mul3A_217 : i32
    %add3A_219 = arith.constant 317440 : i32
    %add3A_220 = arith.addi %add3A_219, %mul3A_218 : i32
    %get3A_221 = arith.index_cast %add3A_220 : i32 to index
    %get3A_222 = vector.load %arg2[%get3A_221] : memref<655360xf32, #tpu.memory_space<vmem>>, vector<2048xf32>
    %add3A_223 = arith.addf %add3A_209, %get3A_222 : vector<2048xf32>
    %mul3A_224 = arith.constant 2048 : i32
    %mul3A_225 = arith.muli %arg0, %mul3A_224 : i32
    %add3A_226 = arith.constant 327680 : i32
    %add3A_227 = arith.addi %add3A_226, %mul3A_225 : i32
    %get3A_228 = arith.index_cast %add3A_227 : i32 to index
    %get3A_229 = vector.load %arg2[%get3A_228] : memref<655360xf32, #tpu.memory_space<vmem>>, vector<2048xf32>
    %add3A_230 = arith.addf %add3A_216, %get3A_229 : vector<2048xf32>
    %mul3A_231 = arith.constant 2048 : i32
    %mul3A_232 = arith.muli %arg0, %mul3A_231 : i32
    %add3A_233 = arith.constant 337920 : i32
    %add3A_234 = arith.addi %add3A_233, %mul3A_232 : i32
    %get3A_235 = arith.index_cast %add3A_234 : i32 to index
    %get3A_236 = vector.load %arg2[%get3A_235] : memref<655360xf32, #tpu.memory_space<vmem>>, vector<2048xf32>
    %add3A_237 = arith.addf %add3A_223, %get3A_236 : vector<2048xf32>
    %mul3A_238 = arith.constant 2048 : i32
    %mul3A_239 = arith.muli %arg0, %mul3A_238 : i32
    %add3A_240 = arith.constant 348160 : i32
    %add3A_241 = arith.addi %add3A_240, %mul3A_239 : i32
    %get3A_242 = arith.index_cast %add3A_241 : i32 to index
    %get3A_243 = vector.load %arg2[%get3A_242] : memref<655360xf32, #tpu.memory_space<vmem>>, vector<2048xf32>
    %add3A_244 = arith.addf %add3A_230, %get3A_243 : vector<2048xf32>
    %mul3A_245 = arith.constant 2048 : i32
    %mul3A_246 = arith.muli %arg0, %mul3A_245 : i32
    %add3A_247 = arith.constant 358400 : i32
    %add3A_248 = arith.addi %add3A_247, %mul3A_246 : i32
    %get3A_249 = arith.index_cast %add3A_248 : i32 to index
    %get3A_250 = vector.load %arg2[%get3A_249] : memref<655360xf32, #tpu.memory_space<vmem>>, vector<2048xf32>
    %add3A_251 = arith.addf %add3A_237, %get3A_250 : vector<2048xf32>
    %mul3A_252 = arith.constant 2048 : i32
    %mul3A_253 = arith.muli %arg0, %mul3A_252 : i32
    %add3A_254 = arith.constant 368640 : i32
    %add3A_255 = arith.addi %add3A_254, %mul3A_253 : i32
    %get3A_256 = arith.index_cast %add3A_255 : i32 to index
    %get3A_257 = vector.load %arg2[%get3A_256] : memref<655360xf32, #tpu.memory_space<vmem>>, vector<2048xf32>
    %add3A_258 = arith.addf %add3A_244, %get3A_257 : vector<2048xf32>
    %mul3A_259 = arith.constant 2048 : i32
    %mul3A_260 = arith.muli %arg0, %mul3A_259 : i32
    %add3A_261 = arith.constant 378880 : i32
    %add3A_262 = arith.addi %add3A_261, %mul3A_260 : i32
    %get3A_263 = arith.index_cast %add3A_262 : i32 to index
    %get3A_264 = vector.load %arg2[%get3A_263] : memref<655360xf32, #tpu.memory_space<vmem>>, vector<2048xf32>
    %add3A_265 = arith.addf %add3A_251, %get3A_264 : vector<2048xf32>
    %mul3A_266 = arith.constant 2048 : i32
    %mul3A_267 = arith.muli %arg0, %mul3A_266 : i32
    %add3A_268 = arith.constant 389120 : i32
    %add3A_269 = arith.addi %add3A_268, %mul3A_267 : i32
    %get3A_270 = arith.index_cast %add3A_269 : i32 to index
    %get3A_271 = vector.load %arg2[%get3A_270] : memref<655360xf32, #tpu.memory_space<vmem>>, vector<2048xf32>
    %add3A_272 = arith.addf %add3A_258, %get3A_271 : vector<2048xf32>
    %mul3A_273 = arith.constant 2048 : i32
    %mul3A_274 = arith.muli %arg0, %mul3A_273 : i32
    %add3A_275 = arith.constant 399360 : i32
    %add3A_276 = arith.addi %add3A_275, %mul3A_274 : i32
    %get3A_277 = arith.index_cast %add3A_276 : i32 to index
    %get3A_278 = vector.load %arg2[%get3A_277] : memref<655360xf32, #tpu.memory_space<vmem>>, vector<2048xf32>
    %add3A_279 = arith.addf %add3A_265, %get3A_278 : vector<2048xf32>
    %mul3A_280 = arith.constant 2048 : i32
    %mul3A_281 = arith.muli %arg0, %mul3A_280 : i32
    %add3A_282 = arith.constant 409600 : i32
    %add3A_283 = arith.addi %add3A_282, %mul3A_281 : i32
    %get3A_284 = arith.index_cast %add3A_283 : i32 to index
    %get3A_285 = vector.load %arg2[%get3A_284] : memref<655360xf32, #tpu.memory_space<vmem>>, vector<2048xf32>
    %add3A_286 = arith.addf %add3A_272, %get3A_285 : vector<2048xf32>
    %mul3A_287 = arith.constant 2048 : i32
    %mul3A_288 = arith.muli %arg0, %mul3A_287 : i32
    %add3A_289 = arith.constant 419840 : i32
    %add3A_290 = arith.addi %add3A_289, %mul3A_288 : i32
    %get3A_291 = arith.index_cast %add3A_290 : i32 to index
    %get3A_292 = vector.load %arg2[%get3A_291] : memref<655360xf32, #tpu.memory_space<vmem>>, vector<2048xf32>
    %add3A_293 = arith.addf %add3A_279, %get3A_292 : vector<2048xf32>
    %mul3A_294 = arith.constant 2048 : i32
    %mul3A_295 = arith.muli %arg0, %mul3A_294 : i32
    %add3A_296 = arith.constant 430080 : i32
    %add3A_297 = arith.addi %add3A_296, %mul3A_295 : i32
    %get3A_298 = arith.index_cast %add3A_297 : i32 to index
    %get3A_299 = vector.load %arg2[%get3A_298] : memref<655360xf32, #tpu.memory_space<vmem>>, vector<2048xf32>
    %add3A_300 = arith.addf %add3A_286, %get3A_299 : vector<2048xf32>
    %mul3A_301 = arith.constant 2048 : i32
    %mul3A_302 = arith.muli %arg0, %mul3A_301 : i32
    %add3A_303 = arith.constant 440320 : i32
    %add3A_304 = arith.addi %add3A_303, %mul3A_302 : i32
    %get3A_305 = arith.index_cast %add3A_304 : i32 to index
    %get3A_306 = vector.load %arg2[%get3A_305] : memref<655360xf32, #tpu.memory_space<vmem>>, vector<2048xf32>
    %add3A_307 = arith.addf %add3A_293, %get3A_306 : vector<2048xf32>
    %mul3A_308 = arith.constant 2048 : i32
    %mul3A_309 = arith.muli %arg0, %mul3A_308 : i32
    %add3A_310 = arith.constant 450560 : i32
    %add3A_311 = arith.addi %add3A_310, %mul3A_309 : i32
    %get3A_312 = arith.index_cast %add3A_311 : i32 to index
    %get3A_313 = vector.load %arg2[%get3A_312] : memref<655360xf32, #tpu.memory_space<vmem>>, vector<2048xf32>
    %add3A_314 = arith.addf %add3A_300, %get3A_313 : vector<2048xf32>
    %mul3A_315 = arith.constant 2048 : i32
    %mul3A_316 = arith.muli %arg0, %mul3A_315 : i32
    %add3A_317 = arith.constant 460800 : i32
    %add3A_318 = arith.addi %add3A_317, %mul3A_316 : i32
    %get3A_319 = arith.index_cast %add3A_318 : i32 to index
    %get3A_320 = vector.load %arg2[%get3A_319] : memref<655360xf32, #tpu.memory_space<vmem>>, vector<2048xf32>
    %add3A_321 = arith.addf %add3A_307, %get3A_320 : vector<2048xf32>
    %mul3A_322 = arith.constant 2048 : i32
    %mul3A_323 = arith.muli %arg0, %mul3A_322 : i32
    %add3A_324 = arith.constant 471040 : i32
    %add3A_325 = arith.addi %add3A_324, %mul3A_323 : i32
    %get3A_326 = arith.index_cast %add3A_325 : i32 to index
    %get3A_327 = vector.load %arg2[%get3A_326] : memref<655360xf32, #tpu.memory_space<vmem>>, vector<2048xf32>
    %add3A_328 = arith.addf %add3A_314, %get3A_327 : vector<2048xf32>
    %mul3A_329 = arith.constant 2048 : i32
    %mul3A_330 = arith.muli %arg0, %mul3A_329 : i32
    %add3A_331 = arith.constant 481280 : i32
    %add3A_332 = arith.addi %add3A_331, %mul3A_330 : i32
    %get3A_333 = arith.index_cast %add3A_332 : i32 to index
    %get3A_334 = vector.load %arg2[%get3A_333] : memref<655360xf32, #tpu.memory_space<vmem>>, vector<2048xf32>
    %add3A_335 = arith.addf %add3A_321, %get3A_334 : vector<2048xf32>
    %mul3A_336 = arith.constant 2048 : i32
    %mul3A_337 = arith.muli %arg0, %mul3A_336 : i32
    %add3A_338 = arith.constant 491520 : i32
    %add3A_339 = arith.addi %add3A_338, %mul3A_337 : i32
    %get3A_340 = arith.index_cast %add3A_339 : i32 to index
    %get3A_341 = vector.load %arg2[%get3A_340] : memref<655360xf32, #tpu.memory_space<vmem>>, vector<2048xf32>
    %add3A_342 = arith.addf %add3A_328, %get3A_341 : vector<2048xf32>
    %mul3A_343 = arith.constant 2048 : i32
    %mul3A_344 = arith.muli %arg0, %mul3A_343 : i32
    %add3A_345 = arith.constant 501760 : i32
    %add3A_346 = arith.addi %add3A_345, %mul3A_344 : i32
    %get3A_347 = arith.index_cast %add3A_346 : i32 to index
    %get3A_348 = vector.load %arg2[%get3A_347] : memref<655360xf32, #tpu.memory_space<vmem>>, vector<2048xf32>
    %add3A_349 = arith.addf %add3A_335, %get3A_348 : vector<2048xf32>
    %mul3A_350 = arith.constant 2048 : i32
    %mul3A_351 = arith.muli %arg0, %mul3A_350 : i32
    %add3A_352 = arith.constant 512000 : i32
    %add3A_353 = arith.addi %add3A_352, %mul3A_351 : i32
    %get3A_354 = arith.index_cast %add3A_353 : i32 to index
    %get3A_355 = vector.load %arg2[%get3A_354] : memref<655360xf32, #tpu.memory_space<vmem>>, vector<2048xf32>
    %add3A_356 = arith.addf %add3A_342, %get3A_355 : vector<2048xf32>
    %mul3A_357 = arith.constant 2048 : i32
    %mul3A_358 = arith.muli %arg0, %mul3A_357 : i32
    %add3A_359 = arith.constant 522240 : i32
    %add3A_360 = arith.addi %add3A_359, %mul3A_358 : i32
    %get3A_361 = arith.index_cast %add3A_360 : i32 to index
    %get3A_362 = vector.load %arg2[%get3A_361] : memref<655360xf32, #tpu.memory_space<vmem>>, vector<2048xf32>
    %add3A_363 = arith.addf %add3A_349, %get3A_362 : vector<2048xf32>
    %mul3A_364 = arith.constant 2048 : i32
    %mul3A_365 = arith.muli %arg0, %mul3A_364 : i32
    %add3A_366 = arith.constant 532480 : i32
    %add3A_367 = arith.addi %add3A_366, %mul3A_365 : i32
    %get3A_368 = arith.index_cast %add3A_367 : i32 to index
    %get3A_369 = vector.load %arg2[%get3A_368] : memref<655360xf32, #tpu.memory_space<vmem>>, vector<2048xf32>
    %add3A_370 = arith.addf %add3A_356, %get3A_369 : vector<2048xf32>
    %mul3A_371 = arith.constant 2048 : i32
    %mul3A_372 = arith.muli %arg0, %mul3A_371 : i32
    %add3A_373 = arith.constant 542720 : i32
    %add3A_374 = arith.addi %add3A_373, %mul3A_372 : i32
    %get3A_375 = arith.index_cast %add3A_374 : i32 to index
    %get3A_376 = vector.load %arg2[%get3A_375] : memref<655360xf32, #tpu.memory_space<vmem>>, vector<2048xf32>
    %add3A_377 = arith.addf %add3A_363, %get3A_376 : vector<2048xf32>
    %mul3A_378 = arith.constant 2048 : i32
    %mul3A_379 = arith.muli %arg0, %mul3A_378 : i32
    %add3A_380 = arith.constant 552960 : i32
    %add3A_381 = arith.addi %add3A_380, %mul3A_379 : i32
    %get3A_382 = arith.index_cast %add3A_381 : i32 to index
    %get3A_383 = vector.load %arg2[%get3A_382] : memref<655360xf32, #tpu.memory_space<vmem>>, vector<2048xf32>
    %add3A_384 = arith.addf %add3A_370, %get3A_383 : vector<2048xf32>
    %mul3A_385 = arith.constant 2048 : i32
    %mul3A_386 = arith.muli %arg0, %mul3A_385 : i32
    %add3A_387 = arith.constant 563200 : i32
    %add3A_388 = arith.addi %add3A_387, %mul3A_386 : i32
    %get3A_389 = arith.index_cast %add3A_388 : i32 to index
    %get3A_390 = vector.load %arg2[%get3A_389] : memref<655360xf32, #tpu.memory_space<vmem>>, vector<2048xf32>
    %add3A_391 = arith.addf %add3A_377, %get3A_390 : vector<2048xf32>
    %mul3A_392 = arith.constant 2048 : i32
    %mul3A_393 = arith.muli %arg0, %mul3A_392 : i32
    %add3A_394 = arith.constant 573440 : i32
    %add3A_395 = arith.addi %add3A_394, %mul3A_393 : i32
    %get3A_396 = arith.index_cast %add3A_395 : i32 to index
    %get3A_397 = vector.load %arg2[%get3A_396] : memref<655360xf32, #tpu.memory_space<vmem>>, vector<2048xf32>
    %add3A_398 = arith.addf %add3A_384, %get3A_397 : vector<2048xf32>
    %mul3A_399 = arith.constant 2048 : i32
    %mul3A_400 = arith.muli %arg0, %mul3A_399 : i32
    %add3A_401 = arith.constant 583680 : i32
    %add3A_402 = arith.addi %add3A_401, %mul3A_400 : i32
    %get3A_403 = arith.index_cast %add3A_402 : i32 to index
    %get3A_404 = vector.load %arg2[%get3A_403] : memref<655360xf32, #tpu.memory_space<vmem>>, vector<2048xf32>
    %add3A_405 = arith.addf %add3A_391, %get3A_404 : vector<2048xf32>
    %mul3A_406 = arith.constant 2048 : i32
    %mul3A_407 = arith.muli %arg0, %mul3A_406 : i32
    %add3A_408 = arith.constant 593920 : i32
    %add3A_409 = arith.addi %add3A_408, %mul3A_407 : i32
    %get3A_410 = arith.index_cast %add3A_409 : i32 to index
    %get3A_411 = vector.load %arg2[%get3A_410] : memref<655360xf32, #tpu.memory_space<vmem>>, vector<2048xf32>
    %add3A_412 = arith.addf %add3A_398, %get3A_411 : vector<2048xf32>
    %mul3A_413 = arith.constant 2048 : i32
    %mul3A_414 = arith.muli %arg0, %mul3A_413 : i32
    %add3A_415 = arith.constant 604160 : i32
    %add3A_416 = arith.addi %add3A_415, %mul3A_414 : i32
    %get3A_417 = arith.index_cast %add3A_416 : i32 to index
    %get3A_418 = vector.load %arg2[%get3A_417] : memref<655360xf32, #tpu.memory_space<vmem>>, vector<2048xf32>
    %add3A_419 = arith.addf %add3A_405, %get3A_418 : vector<2048xf32>
    %mul3A_420 = arith.constant 2048 : i32
    %mul3A_421 = arith.muli %arg0, %mul3A_420 : i32
    %add3A_422 = arith.constant 614400 : i32
    %add3A_423 = arith.addi %add3A_422, %mul3A_421 : i32
    %get3A_424 = arith.index_cast %add3A_423 : i32 to index
    %get3A_425 = vector.load %arg2[%get3A_424] : memref<655360xf32, #tpu.memory_space<vmem>>, vector<2048xf32>
    %add3A_426 = arith.addf %add3A_412, %get3A_425 : vector<2048xf32>
    %mul3A_427 = arith.constant 2048 : i32
    %mul3A_428 = arith.muli %arg0, %mul3A_427 : i32
    %add3A_429 = arith.constant 624640 : i32
    %add3A_430 = arith.addi %add3A_429, %mul3A_428 : i32
    %get3A_431 = arith.index_cast %add3A_430 : i32 to index
    %get3A_432 = vector.load %arg2[%get3A_431] : memref<655360xf32, #tpu.memory_space<vmem>>, vector<2048xf32>
    %add3A_433 = arith.addf %add3A_419, %get3A_432 : vector<2048xf32>
    %mul3A_434 = arith.constant 2048 : i32
    %mul3A_435 = arith.muli %arg0, %mul3A_434 : i32
    %add3A_436 = arith.constant 634880 : i32
    %add3A_437 = arith.addi %add3A_436, %mul3A_435 : i32
    %get3A_438 = arith.index_cast %add3A_437 : i32 to index
    %get3A_439 = vector.load %arg2[%get3A_438] : memref<655360xf32, #tpu.memory_space<vmem>>, vector<2048xf32>
    %add3A_440 = arith.addf %add3A_426, %get3A_439 : vector<2048xf32>
    %mul3A_441 = arith.constant 2048 : i32
    %mul3A_442 = arith.muli %arg0, %mul3A_441 : i32
    %add3A_443 = arith.constant 645120 : i32
    %add3A_444 = arith.addi %add3A_443, %mul3A_442 : i32
    %get3A_445 = arith.index_cast %add3A_444 : i32 to index
    %get3A_446 = vector.load %arg2[%get3A_445] : memref<655360xf32, #tpu.memory_space<vmem>>, vector<2048xf32>
    %add3A_447 = arith.addf %add3A_433, %get3A_446 : vector<2048xf32>
    %stack3A = vector.shape_cast %add3A_440 : vector<2048xf32> to vector<1x2048xf32>
    %stack3A_448 = vector.shape_cast %add3A_447 : vector<2048xf32> to vector<1x2048xf32>
    %stack3A_449 = tpu.concatenate %stack3A, %stack3A_448 in 0 : vector<1x2048xf32>, vector<1x2048xf32> -> vector<2x2048xf32>
    %get3A_450 = arith.constant 0 : index
    %get3A_451 = arith.constant 0 : index
    %get3A_452 = vector.load %arg1[%get3A_450, %get3A_451] : memref<2048x128xf32, #tpu.memory_space<vmem>>, vector<2048x128xf32>
    %get3A_453 = arith.constant 0 : index
    %get3A_454 = arith.constant 0 : index
    %get3A_455 = vector.load %arg3[%get3A_453, %get3A_454] : memref<128x128xf32, #tpu.memory_space<vmem>>, vector<128x128xf32>
    %dot_general3A = arith.constant dense<0.000000e+00> : vector<2048x128xf32>
    %dot_general3A_456 = tpu.matmul %get3A_452, %get3A_455, %dot_general3A {dimension_numbers = #tpu.dot_dimension_numbers<[1], [0], [0], [1], [0, 0, 1, 1], [], []>, transpose_lhs_hint = false} : vector<2048x128xf32>, vector<128x128xf32>, vector<2048x128xf32> -> vector<2048x128xf32>
    %get3A_457 = arith.constant 0 : index
    %get3A_458 = arith.constant 0 : index
    %get3A_459 = vector.load %arg4[%get3A_457, %get3A_458] : memref<2x128xf32, #tpu.memory_space<vmem>>, vector<2x128xf32>
    %dot_general3A_460 = arith.constant dense<0.000000e+00> : vector<2048x128xf32>
    %dot_general3A_461 = tpu.matmul %stack3A_449, %get3A_459, %dot_general3A_460 {dimension_numbers = #tpu.dot_dimension_numbers<[0], [0], [1], [1], [0, 1, 1, 1], [], []>, transpose_lhs_hint = false} : vector<2x2048xf32>, vector<2x128xf32>, vector<2048x128xf32> -> vector<2048x128xf32>
    %add3A_462 = arith.addf %dot_general3A_456, %dot_general3A_461 : vector<2048x128xf32>
    %get3A_463 = arith.constant 0 : index
    %get3A_464 = arith.constant 0 : index
    %get3A_465 = vector.load %arg5[%get3A_463, %get3A_464] : memref<1x128xf32, #tpu.memory_space<vmem>>, vector<1x128xf32>
    %add3A_466 = vector.broadcast %get3A_465 : vector<1x128xf32> to vector<2048x128xf32>
    %add3A_467 = arith.addf %add3A_462, %add3A_466 : vector<2048x128xf32>
    %max3A = arith.constant 0.000000e+00 : f32
    %max3A_468 = vector.broadcast %max3A : f32 to vector<2048x128xf32>
    %max3A_469 = arith.maximumf %add3A_467, %max3A_468 : vector<2048x128xf32>
    %swap3A = arith.constant 0 : index
    %swap3A_470 = arith.constant 0 : index
    %swap3A_471 = vector.load %arg6[%swap3A, %swap3A_470] : memref<2048x128xf32, #tpu.memory_space<vmem>>, vector<2048x128xf32>
    tpu.vector_store %arg6[%swap3A, %swap3A_470], %max3A_469 {strides = array<i32>} : memref<2048x128xf32, #tpu.memory_space<vmem>>, vector<2048x128xf32>,
    return
  }
  func.func @transform_0(%arg0: i32) -> (i32, i32) {
    %c0_i32 = arith.constant 0 : i32
    %c0_i32_0 = arith.constant 0 : i32
    return %arg0, %c0_i32 : i32, i32
  }
  func.func @transform_1(%arg0: i32) -> i32 {
    %c0_i32 = arith.constant 0 : i32
    %c0_i32_0 = arith.constant 0 : i32
    return %c0_i32 : i32
  }
  func.func @transform_2(%arg0: i32) -> (i32, i32) {
    %c0_i32 = arith.constant 0 : i32
    %c0_i32_0 = arith.constant 0 : i32
    %c0_i32_1 = arith.constant 0 : i32
    return %c0_i32, %c0_i32_0 : i32, i32
  }
  func.func @transform_3(%arg0: i32) -> (i32, i32) {
    %c0_i32 = arith.constant 0 : i32
    %c0_i32_0 = arith.constant 0 : i32
    %c0_i32_1 = arith.constant 0 : i32
    return %c0_i32, %c0_i32_0 : i32, i32
  }
  func.func @transform_4(%arg0: i32) -> (i32, i32) {
    %c0_i32 = arith.constant 0 : i32
    %c0_i32_0 = arith.constant 0 : i32
    %c0_i32_1 = arith.constant 0 : i32
    return %c0_i32, %c0_i32_0 : i32, i32
  }
  func.func @transform_5(%arg0: i32) -> (i32, i32) {
    %c0_i32 = arith.constant 0 : i32
    %c0_i32_0 = arith.constant 0 : i32
    return %arg0, %c0_i32 : i32, i32
  }
}

</mosaic_0001>

<sc_bundles>
// kernel: sc_edges.3.cloned.1.call-start
scs
__scs_entry_jumppad:
0x0: {  	(pc) =	sbr.rel $0x88, $3  }
0x1: {  	(tag) =	ssettag $0x0;
	lr =	simm.s32 $0x1  }
0x2: {  	[smem:$0x3F9B] =	sst lr;
	_ =	strace $0xD0000000  }
0x3: {  	_ = 	snop  }
0x4: {  	_ = 	snop  }
0x5: {  	_ = 	snop  }
0x6: {  	_ = 	snop  }
0x7: {  	_ = 	snop  }
__scs_overlays_trampoline_lowered:
0x8: {  	[smem:$0x3FAA] =	sst s0  }
0x9: {  	[smem:$0x3FAB] =	sst s1  }
0xa: {  	[smem:$0x3FAC] =	sst s2  }
0xb: {  	[smem:$0x3FAD] =	sst s3  }
0xc: {  	[smem:$0x3FAE] =	sst s4  }
0xd: {  	[smem:$0x3FAF] =	sst s5  }
0xe: {  	[smem:$0x3FB0] =	sst s6  }
0xf: {  	[smem:$0x3FB1] =	sst s7  }
0x10: {  	[smem:$0x3FB2] =	sst s8  }
0x11: {  	[smem:$0x3FB3] =	sst s9;
	s0 =	simm.s32 @!p0 $0x0  }
0x12: {  	s1 =	sld [smem:$0x3F99];
	s0 =	simm.s32 @p0 $0x1  }
0x13: {  	[smem:$0x3FB4] =	sst s0;
	s0 =	simm.s32 @!p1 $0x0  }
0x14: {  	s2 =	sld [smem:$0x3F98];
	s0 =	simm.s32 @p1 $0x1  }
0x15: {  	[smem:$0x3FB5] =	sst s0;
	s0 =	simm.s32 @!p2 $0x0  }
0x16: {  	s3 =	sld [smem:$0x3FDB];
	s0 =	simm.s32 @p2 $0x1  }
0x17: {  	s4 =	simm.s32 $0x1BF5;
	[smem:$0x3FB7] =	sst s0  }
0x18: {  	s0 =	sld [smem:$0x3F9A];
	_ =	swait.ge [sflag:s4], $0x0  }
0x19: {  	s7 =	sld [smem:$0x3F9B]  }
0x1a: {  	s8 =	sadd.s32 $0xFFFFE003, lr  }
0x1b: {  	s9 =	sadd.s32 $0xFFFFFEF7, lr;
	s5 =	simm.s32 $0xFFFFFFFF;
	p2 =	slt.u32 s8, $0xFFFFF086  }
0x1c: {  	p1 =	slt.u32 s9, $0xF7A;
	s5 =	simm.s32 @!p2 $0x0  }
0x1d: {  	s5 =	simm.s32 @p1 $0x1;
	p0 =	seq.s32 s7, s2  }
0x1e: {  	s7 =	smul.u32 @!p0 $0xF7A, s2;
	p2 =	seq.s32 @!p0 s5, $0x0  }
0x1f: {  	s9 =	smul.u32 $0xF7A, s1;
	s8 =	simm.s32 @!p0 $0x1BF5;
	p2 =	por !p2, p0  }
0x20: {  	[sflag:s8] =	ssyncset.s32 @!p0 $0xFFFFF086;
	s6 =	sadd.s32 @!p0 s3, s7;
	s7 =	simm.s32 @!p0 $0x108  }
0x21: {  	s3 =	sadd.s32 s3, s9;
	s6 =	sadd.s32 @!p0 $0x88, s6;
	s7 =	simm.s32 @p2 $0x1082  }
0x22: {  	[simem:s7], [sflag:s8] =	dma.local @!p0 [hbm:s6], $0xF7A  }
0x23: {  	s9 =	sor.u32 $0xD0000000, s2;
	s6 =	simm.s32 $0x108;
	_ =	swait.ge @!p0 [sflag:s8], $0x0  }
0x24: {  	s3 =	sadd.s32 $0x88, s3;
	s6 =	simm.s32 @!p1 $0x1082;
	[sflag:s4] =	ssyncset.s32 $0xFFFFF086  }
0x25: {  	[simem:s6], [sflag:s4] =	dma.local [hbm:s3], $0xF7A  }
0x26: {  	[smem:$0x3F9B] =	sst s1;
	(tag) =	ssettag s2;
	_ =	strace s9  }
0x27: {  	s1 =	sld [smem:$0x3FAB]  }
0x28: {  	s2 =	sld [smem:$0x3FAC]  }
0x29: {  	s4 =	sld [smem:$0x3FAE]  }
0x2a: {  	p0 =	seq.s32 s5, $0x0;
	s5 =	sld [smem:$0x3FAF]  }
0x2b: {  	s6 =	sld [smem:$0x3FB0]  }
0x2c: {  	s7 =	sld [smem:$0x3FB1]  }
0x2d: {  	s3 =	simm.s32 $0x108;
	s8 =	sld [smem:$0x3FB2]  }
0x2e: {  	s3 =	simm.s32 @!p0 $0x1082;
	s9 =	sld [smem:$0x3FB3]  }
0x2f: {  	lr =	sadd.s32 s0, s3;
	s0 =	sld [smem:$0x3FAA]  }
0x30: {  	s3 =	sld [smem:$0x3FAD]  }
0x31: {  	[smem:$0x3FB6] =	sst s10  }
0x32: {  	s10 =	sld [smem:$0x3FB4];
	_ =	sdelay $0x3  }
0x33: {  	p0 =	seq.s32 s10, $0x1;
	s10 =	sld [smem:$0x3FB6];
	_ =	sdelay $0x3  }
0x34: {  	[smem:$0x3FB6] =	sst s10  }
0x35: {  	s10 =	sld [smem:$0x3FB5];
	_ =	sdelay $0x3  }
0x36: {  	p1 =	seq.s32 s10, $0x1;
	s10 =	sld [smem:$0x3FB6];
	_ =	sdelay $0x3  }
0x37: {  	[smem:$0x3FB6] =	sst s10  }
0x38: {  	s10 =	sld [smem:$0x3FB7]  }
0x39: {  	_ = 	snop;
	(pc) =	sbr.ind lr, $3  }
0x3a: {  	_ = 	snop  }
0x3b: {  	_ = 	snop  }
0x3c: {  	p2 =	seq.s32 s10, $0x1;
	s10 =	sld [smem:$0x3FB6]  }
0x3d: {  	_ =	shalt  }
0x3e: {  	_ =	shalt  }
0x3f: {  	_ =	shalt  }
0x40: {  	_ =	shalt  }
0x41: {  	_ =	shalt  }
0x42: {  	_ =	shalt  }
0x43: {  	_ =	shalt  }
0x44: {  	_ =	shalt  }
0x45: {  	_ =	shalt  }
0x46: {  	_ =	shalt  }
0x47: {  	_ =	shalt  }
0x48: {  	_ =	shalt  }
0x49: {  	_ =	shalt  }
0x4a: {  	_ =	shalt  }
0x4b: {  	_ =	shalt  }
0x4c: {  	_ =	shalt  }
0x4d: {  	_ =	shalt  }
0x4e: {  	_ =	shalt  }
0x4f: {  	_ =	shalt  }
0x50: {  	_ =	shalt  }
0x51: {  	_ =	shalt  }
0x52: {  	_ =	shalt  }
0x53: {  	_ =	shalt  }
0x54: {  	_ =	shalt  }
0x55: {  	_ =	shalt  }
0x56: {  	_ =	shalt  }
0x57: {  	_ =	shalt  }
0x58: {  	_ =	shalt  }
0x59: {  	_ =	shalt  }
0x5a: {  	_ =	shalt  }
0x5b: {  	_ =	shalt  }
0x5c: {  	_ =	shalt  }
0x5d: {  	_ =	shalt  }
0x5e: {  	_ =	shalt  }
0x5f: {  	_ =	shalt  }
0x60: {  	_ =	shalt  }
0x61: {  	_ =	shalt  }
0x62: {  	_ =	shalt  }
0x63: {  	_ =	shalt  }
0x64: {  	_ =	shalt  }
0x65: {  	_ =	shalt  }
0x66: {  	_ =	shalt  }
0x67: {  	_ =	shalt  }
0x68: {  	_ =	shalt  }
0x69: {  	_ =	shalt  }
0x6a: {  	_ =	shalt  }
0x6b: {  	_ =	shalt  }
0x6c: {  	_ =	shalt  }
0x6d: {  	_ =	shalt  }
0x6e: {  	_ =	shalt  }
0x6f: {  	_ =	shalt  }
0x70: {  	_ =	shalt  }
0x71: {  	_ =	shalt  }
0x72: {  	_ =	shalt  }
0x73: {  	_ =	shalt  }
0x74: {  	_ =	shalt  }
0x75: {  	_ =	shalt  }
0x76: {  	_ =	shalt  }
0x77: {  	_ =	shalt  }
0x78: {  	_ =	shalt  }
0x79: {  	_ =	shalt  }
0x7a: {  	_ =	shalt  }
0x7b: {  	_ =	shalt  }
0x7c: {  	_ =	shalt  }
0x7d: {  	_ =	shalt  }
0x7e: {  	_ =	shalt  }
0x7f: {  	_ =	shalt  }
0x80: {  	_ =	shalt  }
0x81: {  	_ =	shalt  }
0x82: {  	_ =	shalt  }
0x83: {  	_ =	shalt  }
0x84: {  	_ =	shalt  }
0x85: {  	_ =	shalt  }
0x86: {  	_ =	shalt  }
0x87: {  	_ =	shalt  }
.Lfunc_end0:
.L_simem_size_0:
called_computation_lowered:
.L_overlay_start_0:
0x88: {  	s2 =	sld [smem:$0x3FD9]  }
0x89: {  	s3 =	sld [smem:$0x3FFE];
	_ =	sdelay $0x1  }
0x8a: {  	s1 =	srdreg.scid  }
0x8b: {  	s0 =	sand.u32 $0x1, s1  }
0x8c: {  	s14 =	sshll.u32 s0, $0xA;
	s2 =	sadd.s32 s3, s2  }
0x8d: {  	s2 =	sadd.s32 s2, s14  }
0x8e: {  	[smem:$0x3FC2] =	sst s2  }
0x8f: {  	_ = 	snop  }
0x90: {  	s2 =	sld [smem:$0x3FD0]  }
0x91: {  	s15 =	sld [smem:$0x3FC8]  }
0x92: {  	s4 =	sld [smem:$0x3FC7]  }
0x93: {  	s6 =	simm.s32 $0xA;
	s7 =	simm.s32 $0x10;
	s5 =	sld [smem:$0x3FC6]  }
0x94: {  	[smem:s7], [sflag:s6] =	dma.local [hbm:s2], $0x1  }
0x95: {  	_ =	swait.eq [sflag:s6], $0x1  }
0x96: {  	s16 =	sld [smem:$0x10];
	[sflag:s6] =	ssyncset.done $0x0  }
0x97: {  	s17 =	sld [smem:$0x11];
	[sflag:s6] =	ssyncadd.s32 $0xFFFFFFFF  }
0x98: {  	s18 =	sld [smem:$0x12];
	(tm) =	ssettm $0x1  }
0x99: {  	s8 =	sld [smem:$0x3FFB];
	_ =	sdelay $0x3  }
0x9a: {  	_ =	strace s8  }
0x9b: {  	s8 =	sld [smem:$0x3FFC];
	_ =	sdelay $0x3  }
0x9c: {  	_ =	strace s8  }
0x9d: {  	s8 =	sld [smem:$0x3FFD];
	_ =	sdelay $0x3  }
0x9e: {  	_ =	strace s8  }
0x9f: {  	_ =	strace $0x8FFFFFFF  }
0xa0: {  	s19 =	sld [smem:$0x3FDB];
	_ =	sdelay $0x1  }
0xa1: {  	s9 =	simm.s32 $_scs_section_size  }
0xa2: {  	s10 =	simm.s32 $_size__tile_overlayer_lowered;
	s11 =	simm.s32 $_tile_overlayer_lowered  }
0xa3: {  	s22 =	simm.s32 $0x1BFF;
	s21 =	sshll.u32 s11, $0x1;
	s8 =	sadd.s32 s9, s19  }
0xa4: {  	s12 =	simm.s32 $0x0;
	s20 =	sshll.u32 s10, $0x1;
	s10 =	sadd.s32 s21, s8  }
0xa5: {  	[timem:s12], [sflag:s22] =	dma.local [hbm:s10], s20  }
0xa6: {  	_ =	swait.ge [sflag:s22], s20  }
0xa7: {  	s9 =	ssub.s32 $0x0, s20;
	[sflag:s22] =	ssyncset.done $0x0  }
0xa8: {  	[sflag:s22] =	ssyncadd.s32 s9;
	_ =	sdelay $0x1  }
0xa9: {  	s23 =	simm.s32 $0x1B8B  }
0xaa: {  	_ =	swait.ge [sflag:s23], $0x1  }
0xab: {  	[sflag:s23] =	ssyncset.done $0x0  }
0xac: {  	s25 =	simm.s32 $0x1B8E;
	s24 =	sld [smem:$0x3FFE];
	[sflag:s23] =	ssyncadd.s32 $0xFFFFFFFF  }
0xad: {  	s26 =	simm.s32 $execute0_lowered;
	[smem:$0x3FD2] =	sst s25  }
0xae: {  	s10 =	sshll.u32 s26, $0x1;
	_ =	strace $0x80000046;
	[dreg:$0x1] =	wrdreg $0xFFFFFFFF  }
0xaf: {  	s28 =	simm.s32 $_size_execute0_lowered;
	s8 =	sadd.s32 s8, s10;
	[dreg:$0x0] =	wrdreg $0x0  }
0xb0: {  	s10 =	sshll.u32 s28, $0x1;
	[dreg:$0x2] =	wrdreg s8  }
0xb1: {  	[dreg:$0x3] =	wrdreg s10  }
0xb2: {  	[dreg:$0x4] =	wrdreg $0xC0  }
0xb3: {  	_ =	task [dreg:s12], $0x5FFFF  }
0xb4: {  	[dreg:$0x1] =	wrdreg $0xFFFFFFFF  }
0xb5: {  	[dreg:$0x0] =	wrdreg $0x60  }
0xb6: {  	[dreg:$0x2] =	wrdreg s24  }
0xb7: {  	[dreg:$0x3] =	wrdreg s5  }
0xb8: {  	[dreg:$0x4] =	wrdreg s15  }
0xb9: {  	[dreg:$0x5] =	wrdreg s4  }
0xba: {  	[dreg:$0x6] =	wrdreg s17  }
0xbb: {  	[dreg:$0x7] =	wrdreg s18  }
0xbc: {  	[dreg:$0x8] =	wrdreg s16  }
0xbd: {  	[dreg:$0x9] =	wrdreg $0x9  }
0xbe: {  	_ =	task.clear_ibuf [dreg:s12], $0xAFFFF;
	_ =	strace $0x90000046  }
0xbf: {  	s29 =	simm.s32 $0x9;
	_ =	strace $0x80000048  }
0xc0: {  	_ =	swait.ge [sflag:s29], $0x1  }
0xc1: {  	[sflag:s29] =	ssyncadd.s32 $0xFFFFFFFF  }
0xc2: {  	_ =	strace $0x90000048  }
0xc3: {  	_ =	sfence  }
0xc4: {  	s30 =	sld [smem:$0x0];
	_ =	sdelay $0x2  }
0xc5: {  	s31 =	sshll.u32 s1, $0xD;
	s1 =	sshrl.u32 s1, $0x2  }
0xc6: {  	s3 =	sand.u32 $0x4000, s31;
	s1 =	sadd.s32 s1, s30  }
0xc7: {  	s0 =	sor.u32 s3, s0;
	s1 =	sshll.u32 s1, $0x11  }
0xc8: {  	s0 =	sor.u32 s1, s0  }
0xc9: {  	s0 =	sadd.s32 $0x8F2B, s0  }
0xca: {  	[sflag:s0] =	ssyncadd.remote.s32 $0x1  }
0xcb: {  	_ =	sfence.sel $0xFFFF  }
0xcc: {  	[dreg:$0x0] =	wrdreg $0xFFFFFFFF;
	(pc) =	sbr.abs _section_cstart, $3  }
0xcd: {  	[dreg:$0x1] =	wrdreg $0xFFFFFFFF  }
0xce: {  	_ =	task.clear_ibuf [dreg:s12], $0x2FFFF;
	_ =	strace $0x9FFFFFFF  }
0xcf: {  	(tm) =	ssettm $0x7FFFFFFF  }
tec
execute0_lowered:
.L_overlay_start_1:
0x0: {  	(tag) =	ssettag $0x1  }
0x1: {  	s0 =	rddreg [dreg:$0x0]  }
0x2: {  	s2 =	rddreg [dreg:$0x1]  }
0x3: {  	s3 =	rddreg [dreg:$0x2]  }
0x4: {  	s1 =	srdreg.scid;
	s4 =	rddreg [dreg:$0x3]  }
0x5: {  	s16 =	stileid.u32;
	s6 =	rddreg [dreg:$0x4]  }
0x6: {  	s8 =	rddreg [dreg:$0x5];
	s5 =	sand.u32 $0x1, s1;
	s25 =	sshll.u32 s16, $0x1  }
0x7: {  	s10 =	rddreg [dreg:$0x6];
	s7 =	sor.u32 s5, s25  }
0x8: {  	s29 =	simm.s32 $0x2800;
	s30 =	simm.s32 $0x5000;
	s9 =	smul.u32 $0x4E, s7  }
0x9: {  	s1 =	simm.s32 $0x0;
	s5 =	ssub.s32 $0x2, s5;
	s11 =	smin.u32 s7, $0x4  }
0xa: {  	p0 =	sgt.u32 s16, $0x1;
	s26 =	sshrl.u32 s5, $0x1;
	s9 =	sadd.s32 s11, s9  }
0xb: {  	[smem:$0x7FF] =	sst s1;
	s5 =	ssub.s32 s5, s26;
	s12 =	sadd.s32 $0x1A, s9  }
0xc: {  	s28 =	sshll.u32 s9, $0x4;
	s31 =	sshll.u32 s9, $0x6;
	s20 =	sadd.s32 $0x34, s9  }
0xd: {  	s21 =	sshll.u32 s9, $0x5;
	s9 =	sadd.s32 $0x4E, s9;
	s13 =	sshll.u32 s12, $0x4  }
0xe: {  	s14 =	sadd.s32 s3, s28;
	s11 =	sadd.s32 s4, s28;
	s15 =	sadd.s32 s2, s31  }
0xf: {  	s19 =	sshll.u32 s12, $0x6;
	s22 =	sadd.s32 s6, s21;
	[dreg:$0x8] =	wrdreg s14  }
0x10: {  	s25 =	sshll.u32 s20, $0x6;
	s26 =	sshll.u32 s9, $0x4;
	[dreg:$0x9] =	wrdreg s11  }
0x11: {  	s12 =	sshll.u32 s12, $0x5;
	s31 =	sshll.u32 s9, $0x6;
	[dreg:$0xa] =	wrdreg s15  }
0x12: {  	s13 =	sand.u32 $0x1FFFFFF0, s13;
	[dreg:$0xe] =	wrdreg s22;
	s14 =	sadd.s32 s8, s21  }
0x13: {  	s11 =	sand.u32 $0x1FFFFFC0, s19;
	s17 =	sadd.s32 s3, s13;
	[dreg:$0xf] =	wrdreg s14  }
0x14: {  	s15 =	sshll.u32 s20, $0x4;
	s18 =	sadd.s32 s4, s13;
	[dreg:$0xb] =	wrdreg s17  }
0x15: {  	s11 =	sadd.s32 s2, s11;
	s23 =	sand.u32 $0x1FFFFFF0, s15;
	[dreg:$0xc] =	wrdreg s18  }
0x16: {  	s21 =	smul.u32 $0xA00, s7;
	[dreg:$0xd] =	wrdreg s11;
	s24 =	sadd.s32 s3, s23  }
0x17: {  	s14 =	sand.u32 $0x1FFFFFF0, s26;
	s11 =	sadd.s32 s4, s23;
	[dreg:$0x10] =	wrdreg s24  }
0x18: {  	s15 =	sand.u32 $0x1FFFFFE0, s12;
	s3 =	sadd.s32 s3, s14;
	[dreg:$0x11] =	wrdreg s11  }
0x19: {  	s26 =	sadd.s32 $0x1E00, s0;
	s28 =	sadd.s32 s4, s14;
	[dreg:$0x12] =	wrdreg s3  }
0x1a: {  	s17 =	sadd.s32 s6, s15;
	s18 =	sshll.u32 s20, $0x5;
	[dreg:$0x13] =	wrdreg s28  }
0x1b: {  	s19 =	sadd.s32 s8, s15;
	s20 =	sshll.u32 s9, $0x5;
	[dreg:$0x16] =	wrdreg s17  }
0x1c: {  	s11 =	sand.u32 $0x1FFFFFC0, s25;
	[dreg:$0x17] =	wrdreg s19;
	s25 =	sadd.s32 s10, s21  }
0x1d: {  	s3 =	sand.u32 $0x1FFFFFC0, s31;
	s14 =	sadd.s32 s2, s11;
	[dreg:$0x1c] =	wrdreg s25  }
0x1e: {  	s2 =	sadd.s32 s2, s3;
	s3 =	sand.u32 $0x1FFFFFE0, s20;
	[dreg:$0x14] =	wrdreg s14  }
0x1f: {  	s12 =	simm.s32 $0x1;
	[dreg:$0x15] =	wrdreg s2;
	s23 =	sadd.s32 s6, s3  }
0x20: {  	s2 =	sand.u32 $0x1FFFFFE0, s18;
	s24 =	sadd.s32 s8, s3;
	[dreg:$0x1a] =	wrdreg s23  }
0x21: {  	s13 =	simm.s32 $0x2;
	s22 =	sadd.s32 s6, s2;
	[dreg:$0x1b] =	wrdreg s24  }
0x22: {  	s4 =	simm.s32 $0x6;
	s2 =	sadd.s32 s8, s2;
	[dreg:$0x18] =	wrdreg s22  }
.Ltmp0:
0x23: {  	s28 =	sadd.s32 $0x2400, s0;
	[dreg:$0x19] =	wrdreg s2;
	(pc) =	sbr.rel .LBB2_1-.Ltmp0, $4  }
0x24: {  	s0 =	sadd.s32 $0x2A00, s0;
	_ =	strace $0x80000047;
	[dreg:$0x1d] =	wrdreg s26  }
0x25: {  	s31 =	smax.u32 s5, $0x1;
	s21 =	simm.s32 $0xA000;
	[dreg:$0x1e] =	wrdreg s28  }
0x26: {  	s5 =	simm.s32 $0x0;
	s3 =	simm.s32 $0x5;
	[dreg:$0x1f] =	wrdreg s0  }
0x27: {  	s22 =	simm.s32 $0x4;
	s2 =	simm.s32 $0x3;
	[smem:$0x7FD] =	sst s31  }
.LBB2_11:
0x28: {  	s0 =	rddreg [dreg:$0x1c]  }
0x29: {  	[hbm4b:s0+s1] =	stream.linear.scatter [tilespmem:s30], [sflag:$0x6], $0x5000, $0x38;
	[tilespmem:$0x1A400] =	vst v63  }
0x2a: {  	_ =	swait.ge [sflag:s4], $0x5000  }
0x2b: {  	s31 =	sld [smem:$0x7FD];
	_ =	sdelay $0x1  }
0x2c: {  	s5 =	sadd.s32 $0x1, s5  }
0x2d: {  	p1 =	sne.s32 s5, s31  }
.Ltmp1:
0x2e: {  	_ = 	snop;
	(pc) =	sbr.rel @!p1 .LBB2_12-.Ltmp1, $3  }
0x2f: {  	_ =	sdelay $0x1  }
0x30: {  	[sflag:s4] =	ssyncset.done $0x0  }
0x31: {  	[sflag:s4] =	ssyncadd.s32 $0xFFFFB000  }
.LBB2_1:
0x32: {  	s0 =	rddreg [dreg:$0x1d]  }
0x33: {  	[tilespmem:s1], [sflag:$0x1] =	stream.linear.gather [hbm4b:s0+s1], $0x2800, $0x38;
	[tilespmem:$0x1A400] =	vst v63  }
0x34: {  	s10 =	rddreg [dreg:$0x1e]  }
0x35: {  	[tilespmem:s29], [sflag:$0x1] =	stream.linear.gather [hbm4b:s10+s1], $0x2800, $0x38;
	[tilespmem:$0x1A400] =	vst v63  }
0x36: {  	s11 =	rddreg [dreg:$0x1f]  }
0x37: {  	[tilespmem:s30], [sflag:$0x1] =	stream.linear.gather [hbm4b:s11+s1], $0x5000, $0x38;
	[tilespmem:$0x1A400] =	vst v63  }
0x38: {  	s14 =	rddreg [dreg:$0x8]  }
0x39: {  	[tilespmem:s21], [sflag:$0x2] =	stream.linear.gather [hbm4b:s14+s1], $0xD00, $0x38;
	[tilespmem:$0x1A400] =	vst v63  }
0x3a: {  	s15 =	rddreg [dreg:$0x9];
	s6 =	simm.s32 $0xAD00  }
0x3b: {  	[tilespmem:s6], [sflag:$0x2] =	stream.linear.gather [hbm4b:s15+s1], $0xD00, $0x38;
	[tilespmem:$0x1A400] =	vst v63  }
0x3c: {  	s16 =	rddreg [dreg:$0xa];
	s17 =	simm.s32 $0xBA00  }
0x3d: {  	[tilespmem:s17], [sflag:$0x2] =	stream.linear.gather [hbm4b:s16+s1], $0x3400, $0x38;
	[tilespmem:$0x1A400] =	vst v63  }
0x3e: {  	_ =	swait.ge [sflag:s12], $0x2800  }
0x3f: {  	[sflag:s12] =	ssyncset.done $0x0  }
0x40: {  	[sflag:s12] =	ssyncadd.s32 $0xFFFFD800  }
0x41: {  	_ =	swait.ge [sflag:s12], $0x2800  }
0x42: {  	[sflag:s12] =	ssyncset.done $0x0  }
0x43: {  	[sflag:s12] =	ssyncadd.s32 $0xFFFFD800  }
0x44: {  	_ =	swait.ge [sflag:s12], $0x5000  }
0x45: {  	[sflag:s12] =	ssyncset.done $0x0  }
0x46: {  	[sflag:s12] =	ssyncadd.s32 $0xFFFFB000  }
0x47: {  	_ =	swait.ge [sflag:s13], $0xD00  }
0x48: {  	[sflag:s13] =	ssyncset.done $0x0  }
0x49: {  	[sflag:s13] =	ssyncadd.s32 $0xFFFFF300  }
0x4a: {  	_ =	swait.ge [sflag:s13], $0xD00  }
0x4b: {  	[sflag:s13] =	ssyncset.done $0x0  }
0x4c: {  	[sflag:s13] =	ssyncadd.s32 $0xFFFFF300  }
0x4d: {  	_ =	swait.ge [sflag:s13], $0x3400  }
0x4e: {  	[sflag:s13] =	ssyncset.done $0x0  }
0x4f: {  	s19 =	simm.s32 $0x12200;
	s18 =	rddreg [dreg:$0xb];
	[sflag:s13] =	ssyncadd.s32 $0xFFFFCC00  }
0x50: {  	[tilespmem:s19], [sflag:$0x4] =	stream.linear.gather [hbm4b:s18+s1], $0xD00, $0x38;
	[tilespmem:$0x1A400] =	vst v63  }
0x51: {  	s23 =	simm.s32 $0x12F00;
	s20 =	rddreg [dreg:$0xc]  }
0x52: {  	[tilespmem:s23], [sflag:$0x4] =	stream.linear.gather [hbm4b:s20+s1], $0xD00, $0x38;
	[tilespmem:$0x1A400] =	vst v63  }
0x53: {  	s25 =	simm.s32 $0x13C00;
	s26 =	simm.s32 $0xA020;
	s24 =	rddreg [dreg:$0xd]  }
0x54: {  	[tilespmem:s25], [sflag:$0x4] =	stream.linear.gather [hbm4b:s24+s1], $0x3400, $0x38;
	[tilespmem:$0x1A400] =	vst v63  }
0x55: {  	s7 =	simm.s32 $0xAD20;
	v0 =	vld [tilespmem:s26+$0xFFFFFFE0]  }
0x56: {  	s8 =	sand.u32 $0xFFFFFF80, s1;
	v1 =	vld [tilespmem:s7+$0xFFFFFFE0]  }
0x57: {  	s9 =	simm.s32 $0x0;
	s10 =	ssub.s32 $0xFFFFFFC0, s8;
	v7 =	vld [tilespmem:s7+$0x10]  }
0x58: {  	s9 =	sand.u32 $0x3FFFFE00, s9;
	s11 =	sadd.s32 $0x70, s10;
	v6 =	vld [tilespmem:s26+$0x10]  }
0x59: {  	s11 =	sand.u32 $0xFFFFFF80, s11;
	s14 =	simm.s32 $0x30;
	s16 =	sadd.s32 $0xBA00, s9;
	v3 =	vld [tilespmem:s7+$0xFFFFFFF0]  }
0x5a: {  	s14 =	sand.u32 $0x70, s14;
	s9 =	sadd.s32 $0xBA80, s9;
	s17 =	sadd.s32 s11, s16;
	v5 =	vld [tilespmem:s7+$0x0]  }
0x5b: {  	s11 =	sadd.s32 s11, s9;
	s28 =	sor.u32 s14, s17;
	v4 =	vld [tilespmem:s26+$0x0]  }
0x5c: {  	s6 =	simm.s32 $0x0;
	s11 =	sor.u32 s14, s11;
	v9 =	vld [tilespmem:s28+$0x0]  }
0x5d: {  	v11 =	vld [tilespmem:s11+$0x0];
	s7 =	sand.u32 $0x40, s6  }
0x5e: {  	v2 =	vld [tilespmem:s26+$0xFFFFFFF0];
	s0 =	sor.u32 s7, s16  }
0x5f: {  	s15 =	sor.u32 s7, s9;
	v23 =	vld [tilespmem:s0+$0x0]  }
0x60: {  	v15 =	vld [tilespmem:s15+$0x0]  }
0x61: {  	v10 =	vld.idx.msk [tilespmem:v7+s29+$0x0], $0xffff  }
0x62: {  	v12 =	vld.idx.msk [tilespmem:v6+s1+$0x0], $0xffff  }
0x63: {  	v8 =	vld.idx.msk [tilespmem:v3+s1+$0x0], $0xffff  }
0x64: {  	v13 =	vld.idx.msk [tilespmem:v3+s29+$0x0], $0xffff  }
0x65: {  	v14 =	vld.idx.msk [tilespmem:v7+s1+$0x0], $0xffff  }
0x66: {  	v16 =	vld.idx.msk [tilespmem:v6+s29+$0x0], $0xffff  }
0x67: {  	v17 =	vld.idx.msk [tilespmem:v1+s29+$0x0], $0xffff  }
0x68: {  	s8 =	sadd.s32 $0xFFFFFFC0, s8;
	s31 =	sadd.s32 $0x60, s10;
	s10 =	sadd.s32 $0x50, s10;
	v18 =	vld.idx.msk [tilespmem:v0+s1+$0x0], $0xffff  }
0x69: {  	s10 =	sand.u32 $0xFFFFFF80, s10;
	s18 =	simm.s32 $0x20;
	s11 =	sand.u32 $0xFFFFFF80, s31;
	v19 =	vld.idx.msk [tilespmem:v0+s29+$0x0], $0xffff  }
0x6a: {  	s20 =	sand.u32 $0x60, s18;
	s23 =	simm.s32 $0x10;
	s19 =	sadd.s32 s11, s16;
	v20 =	vld.idx.msk [tilespmem:v1+s1+$0x0], $0xffff  }
0x6b: {  	s17 =	sand.u32 $0x50, s23;
	s16 =	sadd.s32 s10, s16;
	s18 =	sor.u32 s20, s19;
	v22 =	vld.idx.msk [tilespmem:v2+s29+$0x0], $0xffff;
	v21 =	vsub.f32 v14, v12  }
0x6c: {  	s24 =	sadd.s32 $0x70, s8;
	s25 =	simm.s32 $0x0;
	s16 =	sor.u32 s17, s16;
	v12 =	vld [tilespmem:s18+$0x0];
	v16 =	vsub.f32 v10, v16  }
0x6d: {  	s26 =	sand.u32 $0xFFFFFF00, s25;
	s18 =	sand.u32 $0xFFFFFF80, s24;
	v10 =	vld [tilespmem:s16+$0x0];
	v24 =	vmul.f32 v21, v9  }
0x6e: {  	s31 =	sadd.s32 $0x50, s8;
	s8 =	sadd.s32 $0x60, s8;
	v14 =	vld.idx.msk [tilespmem:v4+s29+$0x0], $0xffff;
	s16 =	sor.u32 s14, s18;
	v25 =	vmul.f32 v21, v11;
	v11 =	vmul.f32 v16, v11  }
0x6f: {  	s11 =	sadd.s32 s11, s9;
	s9 =	sadd.s32 s10, s9;
	s8 =	sand.u32 $0xFFFFFF80, s8;
	v20 =	vsub.f32 v20, v18;
	v18 =	vld.idx.msk [tilespmem:v5+s29+$0x0], $0xffff;
	[tilespmem:s16+$0x10800] =	vst v21;
	v21 =	vsub.f32 v17, v19  }
0x70: {  	s28 =	sor.u32 s20, s11;
	s11 =	sor.u32 s17, s9;
	s18 =	sor.u32 s7, s26;
	v17 =	vld.idx.msk [tilespmem:v4+s1+$0x0], $0xffff;
	v26 =	vmul.f32 v16, v9;
	[tilespmem:s16+$0x10880] =	vst v16;
	v11 =	vsub.f32 v24, v11  }
0x71: {  	s20 =	sor.u32 s20, s8;
	s8 =	simm.s32 $0x40;
	s7 =	sand.u32 $0xFFFFFF80, s31;
	v19 =	vld.idx.msk [tilespmem:v5+s1+$0x0], $0xffff;
	v9 =	vsub.f32 v13, v22;
	v22 =	vmul.f32 v21, v15;
	[tilespmem:s18+$0x10880] =	vst v21  }
0x72: {  	s9 =	simm.s32 $0xA060;
	s14 =	sor.u32 s17, s7;
	s7 =	simm.s32 $0xAD60;
	v16 =	vld [tilespmem:s28+$0x0];
	v21 =	vmul.f32 v21, v23;
	v13 =	vadd.f32 v26, v25;
	v23 =	vmul.f32 v20, v23;
	[tilespmem:s16+$0xEE00] =	vst v11  }
.LBB2_2:
0x73: {  	s19 =	sand.u32 $0xFFFFFF80, s8  }
0x74: {  	s23 =	sadd.s32 $0x70, s6;
	[tilespmem:s18+$0x10800] =	vst v20;
	v24 =	vld [tilespmem:s11+$0x0];
	s11 =	smov.u32 s6;
	s6 =	sadd.s32 $0x40, s6  }
0x75: {  	v15 =	vmul.f32 v20, v15;
	v25 =	vld [tilespmem:s9+$0xFFFFFFE0];
	s10 =	sshll.u32 s6, $0x2;
	s17 =	sadd.s32 $0x50, s11;
	s24 =	ssub.s32 s11, s19;
	v22 =	vsub.f32 v23, v22  }
0x76: {  	v17 =	vsub.f32 v19, v17;
	v20 =	vld [tilespmem:s7+$0xFFFFFFE0];
	s26 =	sand.u32 $0x3FFFFE00, s10;
	s10 =	sand.u32 $0x50, s17;
	s25 =	sadd.s32 $0x70, s24  }
0x77: {  	s28 =	sadd.s32 $0x50, s24;
	v15 =	vadd.f32 v21, v15;
	v14 =	vsub.f32 v18, v14;
	s17 =	sadd.s32 $0xBA00, s26;
	s31 =	sand.u32 $0xFFFFFF80, s25;
	[tilespmem:s18+$0xEE00] =	vst v22;
	v19 =	vld.idx.msk [tilespmem:v2+s1+$0x0], $0xffff  }
0x78: {  	s0 =	sadd.s32 $0x60, s24;
	s25 =	sand.u32 $0x70, s23;
	v18 =	vld [tilespmem:s7+$0xFFFFFFF0];
	s23 =	sadd.s32 s31, s17;
	v21 =	vmul.f32 v17, v16;
	[tilespmem:s20+$0x10800] =	vst v17  }
0x79: {  	s24 =	sadd.s32 $0xBA80, s26;
	s0 =	sand.u32 $0xFFFFFF80, s0;
	v17 =	vmul.f32 v17, v12;
	v12 =	vmul.f32 v14, v12;
	v23 =	vld [tilespmem:s7+$0x10];
	s26 =	sor.u32 s25, s23;
	[tilespmem:s18+$0xEE80] =	vst v15  }
0x7a: {  	s15 =	sadd.s32 s11, s19;
	s19 =	sadd.s32 s31, s24;
	v16 =	vmul.f32 v14, v16;
	s18 =	sadd.s32 s0, s17;
	v26 =	vld [tilespmem:s7+$0x0];
	[tilespmem:s20+$0x10880] =	vst v14  }
0x7b: {  	s11 =	sadd.s32 $0x60, s11;
	s0 =	sadd.s32 s0, s24;
	s31 =	sor.u32 s25, s19;
	v12 =	vadd.f32 v12, v21;
	v21 =	vadd.s32 $0x2800, v7;
	v14 =	vld [tilespmem:s9+$0x0];
	[tilespmem:s16+$0xEE80] =	vst v13  }
0x7c: {  	s23 =	sand.u32 $0xFFFFFF80, s28;
	s19 =	sand.u32 $0x60, s11;
	v16 =	vsub.f32 v17, v16;
	s16 =	sadd.s32 $0x70, s15;
	[tilespmem:v7+s30+$0x0] =	vst.idx.add.f32.msk $0xffff, v11  }
0x7d: {  	s11 =	sadd.s32 s23, s17;
	s28 =	sadd.s32 s23, s24;
	s23 =	sor.u32 s19, s0;
	v17 =	vadd.s32 $0x2800, v6;
	v8 =	vsub.f32 v8, v19;
	v27 =	vld [tilespmem:s26+$0x0];
	[tilespmem:s14+$0x10880] =	vst v9  }
0x7e: {  	s26 =	sor.u32 s10, s11;
	s11 =	sor.u32 s10, s28;
	s28 =	sadd.s32 $0x60, s15;
	v19 =	vld [tilespmem:s9+$0x10];
	[tilespmem:s20+$0xEE80] =	vst v12;
	v7 =	vmov v23  }
0x7f: {  	p1 =	slt.u32 s6, $0xCC0;
	v28 =	vmul.f32 v9, v10;
	s0 =	sadd.s32 $0x50, s15;
	v11 =	vsub.f32 $0.0e+00, v11;
	v29 =	vmul.f32 v8, v24;
	v23 =	vld [tilespmem:s31+$0x0];
	[tilespmem:s14+$0x10800] =	vst v8  }
0x80: {  	v30 =	vadd.s32 $0x2800, v5;
	s31 =	sand.u32 $0xFFFFFF80, s0;
	[tilespmem:v21+s30+$0x0] =	vst.idx.add.f32.msk $0xffff, v13;
	v13 =	vsub.f32 $0.0e+00, v13  }
0x81: {  	v21 =	vsub.f32 $0.0e+00, v22;
	v28 =	vadd.f32 v28, v29;
	[tilespmem:v6+s30+$0x0] =	vst.idx.add.f32.msk $0xffff, v11  }
0x82: {  	v9 =	vmul.f32 v9, v24;
	v8 =	vmul.f32 v8, v10;
	v11 =	vsub.f32 $0.0e+00, v15;
	[tilespmem:v17+s30+$0x0] =	vst.idx.add.f32.msk $0xffff, v13  }
0x83: {  	v10 =	vld [tilespmem:s9+$0xFFFFFFF0];
	[tilespmem:s20+$0xEE00] =	vst v16;
	v6 =	vmov v19  }
0x84: {  	v9 =	vsub.f32 v8, v9;
	[tilespmem:v5+s30+$0x0] =	vst.idx.add.f32.msk $0xffff, v16;
	v5 =	vmov v26  }
0x85: {  	[tilespmem:v30+s30+$0x0] =	vst.idx.add.f32.msk $0xffff, v12  }
0x86: {  	v8 =	vadd.s32 $0x2800, v1;
	v16 =	vsub.f32 $0.0e+00, v16;
	v13 =	vld.idx.msk [tilespmem:v7+s29+$0x0], $0xffff;
	[tilespmem:s14+$0xEE00] =	vst v9  }
0x87: {  	v17 =	vld.idx.msk [tilespmem:v19+s1+$0x0], $0xffff;
	[tilespmem:s14+$0xEE80] =	vst v28;
	v19 =	vadd.s32 $0x2800, v3  }
0x88: {  	[tilespmem:v4+s30+$0x0] =	vst.idx.add.f32.msk $0xffff, v16  }
0x89: {  	v16 =	vadd.s32 $0x2800, v0;
	[tilespmem:v3+s30+$0x0] =	vst.idx.add.f32.msk $0xffff, v9;
	v3 =	vmov v18  }
0x8a: {  	[tilespmem:v1+s30+$0x0] =	vst.idx.add.f32.msk $0xffff, v22;
	v1 =	vmov v20  }
0x8b: {  	[tilespmem:v8+s30+$0x0] =	vst.idx.add.f32.msk $0xffff, v15  }
0x8c: {  	s0 =	sor.u32 s19, s18;
	[tilespmem:v19+s30+$0x0] =	vst.idx.add.f32.msk $0xffff, v28  }
0x8d: {  	[tilespmem:v0+s30+$0x0] =	vst.idx.add.f32.msk $0xffff, v21;
	v0 =	vmov v25  }
0x8e: {  	[tilespmem:v16+s30+$0x0] =	vst.idx.add.f32.msk $0xffff, v11  }
0x8f: {  	v11 =	vadd.s32 $0x2800, v2;
	v8 =	vld.idx.msk [tilespmem:v18+s1+$0x0], $0xffff  }
0x90: {  	v9 =	vsub.f32 $0.0e+00, v9;
	v15 =	vadd.s32 $0x2800, v4;
	v4 =	vmov v14;
	v16 =	vld.idx.msk [tilespmem:v18+s29+$0x0], $0xffff  }
0x91: {  	v18 =	vld.idx.msk [tilespmem:v7+s1+$0x0], $0xffff  }
0x92: {  	[tilespmem:v2+s30+$0x0] =	vst.idx.add.f32.msk $0xffff, v9;
	v9 =	vsub.f32 $0.0e+00, v28;
	v2 =	vmov v10  }
0x93: {  	v12 =	vsub.f32 $0.0e+00, v12;
	v10 =	vld.idx.msk [tilespmem:v10+s29+$0x0], $0xffff  }
0x94: {  	[tilespmem:v11+s30+$0x0] =	vst.idx.add.f32.msk $0xffff, v9  }
0x95: {  	v14 =	vld.idx.msk [tilespmem:v14+s29+$0x0], $0xffff  }
0x96: {  	[tilespmem:v15+s30+$0x0] =	vst.idx.add.f32.msk $0xffff, v12  }
0x97: {  	s14 =	sand.u32 $0xFFFFFF80, s16;
	v9 =	vsub.f32 v18, v17;
	v11 =	vld.idx.msk [tilespmem:v6+s29+$0x0], $0xffff  }
0x98: {  	s16 =	sor.u32 s25, s14;
	v18 =	vld.idx.msk [tilespmem:v20+s29+$0x0], $0xffff  }
0x99: {  	v21 =	vmul.f32 v9, v27;
	v24 =	vmul.f32 v9, v23;
	v20 =	vld.idx.msk [tilespmem:v25+s1+$0x0], $0xffff;
	[tilespmem:s16+$0x10800] =	vst v9  }
0x9a: {  	s14 =	sand.u32 $0x40, s6;
	v19 =	vld.idx.msk [tilespmem:v25+s29+$0x0], $0xffff  }
0x9b: {  	s15 =	sor.u32 s14, s17;
	v22 =	vld.idx.msk [tilespmem:v1+s1+$0x0], $0xffff  }
0x9c: {  	v25 =	vld [tilespmem:s15+$0x0];
	s15 =	sor.u32 s14, s24  }
0x9d: {  	v9 =	vsub.f32 v16, v10;
	v10 =	vsub.f32 v13, v11;
	v15 =	vld [tilespmem:s15+$0x0]  }
0x9e: {  	v12 =	vld [tilespmem:s0+$0x0]  }
.Ltmp2:
0x9f: {  	s0 =	sshll.u32 s6, $0x1;
	v11 =	vmul.f32 v10, v23;
	v13 =	vmul.f32 v10, v27;
	v17 =	vld.idx.msk [tilespmem:v4+s1+$0x0], $0xffff;
	[tilespmem:s16+$0x10880] =	vst v10;
	(pc) =	sbr.rel @p1 .LBB2_2-.Ltmp2, $4  }
0xa0: {  	v10 =	vsub.f32 v18, v19;
	s0 =	sand.u32 $0xFFFFFF00, s0;
	v19 =	vld.idx.msk [tilespmem:v5+s1+$0x0], $0xffff  }
0xa1: {  	v20 =	vsub.f32 v22, v20;
	s18 =	sor.u32 s14, s0;
	v11 =	vsub.f32 v21, v11;
	v18 =	vld.idx.msk [tilespmem:v5+s29+$0x0], $0xffff  }
0xa2: {  	s7 =	sadd.s32 $0x40, s7;
	s14 =	sor.u32 s10, s31;
	s0 =	sand.u32 $0xFFFFFF80, s28;
	v13 =	vadd.f32 v13, v24;
	v21 =	vmul.f32 v10, v25;
	v22 =	vmul.f32 v10, v15;
	[tilespmem:s18+$0x10880] =	vst v10;
	v10 =	vld [tilespmem:s26+$0x0]  }
0xa3: {  	s8 =	sadd.s32 $0x40, s8;
	s9 =	sadd.s32 $0x40, s9;
	s20 =	sor.u32 s19, s0;
	v23 =	vmul.f32 v20, v25;
	v16 =	vld [tilespmem:s23+$0x0];
	[tilespmem:s16+$0xEE00] =	vst v11  }
0xa4: {  	_ =	sdelay $0x2  }
0xa5: {  	[tilespmem:s18+$0x10800] =	vst v20  }
0xa6: {  	v15 =	vmul.f32 v20, v15;
	[tilespmem:s16+$0xEE80] =	vst v13;
	v17 =	vsub.f32 v19, v17;
	v19 =	vld.idx.msk [tilespmem:v2+s1+$0x0], $0xffff  }
0xa7: {  	v22 =	vsub.f32 v23, v22;
	[tilespmem:v7+s30+$0x0] =	vst.idx.add.f32.msk $0xffff, v11  }
0xa8: {  	v15 =	vadd.f32 v21, v15;
	v21 =	vld [tilespmem:s11+$0x0];
	[tilespmem:s14+$0x10880] =	vst v9  }
0xa9: {  	v23 =	vadd.s32 $0x2800, v7;
	[tilespmem:s18+$0xEE00] =	vst v22  }
0xaa: {  	v14 =	vsub.f32 v18, v14;
	[tilespmem:s20+$0x10800] =	vst v17  }
0xab: {  	[tilespmem:s18+$0xEE80] =	vst v15  }
0xac: {  	v18 =	vmul.f32 v17, v16;
	v20 =	vmul.f32 v14, v12;
	[tilespmem:s20+$0x10880] =	vst v14  }
0xad: {  	v11 =	vsub.f32 $0.0e+00, v11;
	v12 =	vmul.f32 v17, v12;
	v14 =	vmul.f32 v14, v16;
	[tilespmem:v1+s30+$0x0] =	vst.idx.add.f32.msk $0xffff, v22  }
0xae: {  	v18 =	vadd.f32 v20, v18;
	v7 =	vsub.f32 v8, v19;
	v8 =	vadd.s32 $0x2800, v6;
	[tilespmem:v23+s30+$0x0] =	vst.idx.add.f32.msk $0xffff, v13  }
0xaf: {  	[tilespmem:v6+s30+$0x0] =	vst.idx.add.f32.msk $0xffff, v11  }
0xb0: {  	v16 =	vadd.s32 $0x2800, v5;
	v12 =	vsub.f32 v12, v14;
	[tilespmem:s20+$0xEE80] =	vst v18  }
0xb1: {  	v13 =	vsub.f32 $0.0e+00, v13;
	[tilespmem:s14+$0x10800] =	vst v7  }
0xb2: {  	v11 =	vmul.f32 v9, v21;
	v6 =	vmul.f32 v7, v10;
	[tilespmem:s20+$0xEE00] =	vst v12  }
0xb3: {  	v7 =	vmul.f32 v7, v21;
	[tilespmem:v8+s30+$0x0] =	vst.idx.add.f32.msk $0xffff, v13;
	v8 =	vmul.f32 v9, v10  }
0xb4: {  	[tilespmem:v5+s30+$0x0] =	vst.idx.add.f32.msk $0xffff, v12;
	v6 =	vsub.f32 v6, v11  }
0xb5: {  	[tilespmem:v16+s30+$0x0] =	vst.idx.add.f32.msk $0xffff, v18;
	v9 =	vadd.s32 $0x2800, v3;
	v5 =	vadd.f32 v8, v7  }
0xb6: {  	[tilespmem:s14+$0xEE00] =	vst v6;
	v7 =	vadd.s32 $0x2800, v1;
	v8 =	vsub.f32 $0.0e+00, v12  }
0xb7: {  	[tilespmem:s14+$0xEE80] =	vst v5  }
0xb8: {  	[tilespmem:v4+s30+$0x0] =	vst.idx.add.f32.msk $0xffff, v8;
	v8 =	vadd.s32 $0x2800, v0  }
0xb9: {  	[tilespmem:v3+s30+$0x0] =	vst.idx.add.f32.msk $0xffff, v6  }
0xba: {  	v1 =	vsub.f32 $0.0e+00, v22;
	v3 =	vadd.s32 $0x2800, v2;
	[tilespmem:v9+s30+$0x0] =	vst.idx.add.f32.msk $0xffff, v5  }
0xbb: {  	v4 =	vadd.s32 $0x2800, v4;
	[tilespmem:v7+s30+$0x0] =	vst.idx.add.f32.msk $0xffff, v15;
	v7 =	vsub.f32 $0.0e+00, v15  }
0xbc: {  	[tilespmem:v0+s30+$0x0] =	vst.idx.add.f32.msk $0xffff, v1;
	v0 =	vsub.f32 $0.0e+00, v6  }
0xbd: {  	v1 =	vsub.f32 $0.0e+00, v5;
	[tilespmem:v8+s30+$0x0] =	vst.idx.add.f32.msk $0xffff, v7  }
0xbe: {  	[tilespmem:v2+s30+$0x0] =	vst.idx.add.f32.msk $0xffff, v0;
	v0 =	vsub.f32 $0.0e+00, v18  }
0xbf: {  	[tilespmem:v3+s30+$0x0] =	vst.idx.add.f32.msk $0xffff, v1  }
0xc0: {  	[tilespmem:v4+s30+$0x0] =	vst.idx.add.f32.msk $0xffff, v0  }
0xc1: {  	s0 =	simm.s32 $0x0;
	s7 =	simm.s32 $0xEE00;
	s6 =	rddreg [dreg:$0xe]  }
0xc2: {  	[hbm4b:s6+s0] =	stream.linear.scatter [tilespmem:s7], [sflag:$0x3], $0x1A00, $0x38;
	[tilespmem:$0x1A400] =	vst v63  }
0xc3: {  	s18 =	simm.s32 $0x10800;
	s17 =	rddreg [dreg:$0xf]  }
0xc4: {  	[hbm4b:s17+s0] =	stream.linear.scatter [tilespmem:s18], [sflag:$0x3], $0x1A00, $0x38;
	[tilespmem:$0x1A400] =	vst v63  }
0xc5: {  	_ =	swait.ge [sflag:s22], $0xD00  }
0xc6: {  	[sflag:s22] =	ssyncset.done $0x0  }
0xc7: {  	[sflag:s22] =	ssyncadd.s32 $0xFFFFF300  }
0xc8: {  	_ =	swait.ge [sflag:s22], $0xD00  }
0xc9: {  	[sflag:s22] =	ssyncset.done $0x0  }
0xca: {  	[sflag:s22] =	ssyncadd.s32 $0xFFFFF300  }
0xcb: {  	_ =	swait.ge [sflag:s22], $0x3400  }
0xcc: {  	[sflag:s22] =	ssyncset.done $0x0  }
0xcd: {  	s19 =	rddreg [dreg:$0x10];
	[sflag:s22] =	ssyncadd.s32 $0xFFFFCC00  }
0xce: {  	[tilespmem:s21], [sflag:$0x2] =	stream.linear.gather [hbm4b:s19+s0], $0xD00, $0x38;
	[tilespmem:$0x1A400] =	vst v63  }
0xcf: {  	s20 =	rddreg [dreg:$0x11];
	s21 =	simm.s32 $0xAD00  }
0xd0: {  	[tilespmem:s21], [sflag:$0x2] =	stream.linear.gather [hbm4b:s20+s0], $0xD00, $0x38;
	[tilespmem:$0x1A400] =	vst v63  }
0xd1: {  	s24 =	simm.s32 $0xBA00;
	s25 =	simm.s32 $0x12220;
	s23 =	rddreg [dreg:$0x14]  }
0xd2: {  	[tilespmem:s24], [sflag:$0x2] =	stream.linear.gather [hbm4b:s23+s0], $0x3400, $0x38;
	[tilespmem:$0x1A400] =	vst v63  }
0xd3: {  	s26 =	simm.s32 $0x12F20;
	v0 =	vld [tilespmem:s25+$0xFFFFFFE0]  }
0xd4: {  	v1 =	vld [tilespmem:s26+$0xFFFFFFE0]  }
0xd5: {  	v7 =	vld [tilespmem:s26+$0x10]  }
0xd6: {  	v6 =	vld [tilespmem:s25+$0x10]  }
0xd7: {  	s8 =	simm.s32 $0x0;
	s28 =	simm.s32 $0x30;
	s0 =	sand.u32 $0xFFFFFF80, s0;
	v3 =	vld [tilespmem:s26+$0xFFFFFFF0]  }
0xd8: {  	s8 =	sand.u32 $0x3FFFFE00, s8;
	s6 =	simm.s32 $0x0;
	s9 =	ssub.s32 $0xFFFFFFC0, s0;
	v5 =	vld [tilespmem:s26+$0x0]  }
0xd9: {  	s31 =	sadd.s32 $0x13C00, s8;
	s18 =	sand.u32 $0x40, s6;
	v4 =	vld [tilespmem:s25+$0x0];
	s10 =	sadd.s32 $0x70, s9  }
0xda: {  	s8 =	sadd.s32 $0x13C80, s8;
	s20 =	sor.u32 s18, s31;
	v2 =	vld [tilespmem:s25+$0xFFFFFFF0];
	s10 =	sand.u32 $0xFFFFFF80, s10  }
0xdb: {  	s11 =	sand.u32 $0x70, s28;
	s23 =	sor.u32 s18, s8;
	v23 =	vld [tilespmem:s20+$0x0];
	s15 =	sadd.s32 s10, s31  }
0xdc: {  	v15 =	vld [tilespmem:s23+$0x0];
	s10 =	sadd.s32 s10, s8;
	s17 =	sor.u32 s11, s15  }
0xdd: {  	s10 =	sor.u32 s11, s10;
	v9 =	vld [tilespmem:s17+$0x0]  }
0xde: {  	v11 =	vld [tilespmem:s10+$0x0]  }
0xdf: {  	v10 =	vld.idx.msk [tilespmem:v7+s29+$0x0], $0xffff  }
0xe0: {  	v12 =	vld.idx.msk [tilespmem:v6+s1+$0x0], $0xffff  }
0xe1: {  	v8 =	vld.idx.msk [tilespmem:v3+s1+$0x0], $0xffff  }
0xe2: {  	v13 =	vld.idx.msk [tilespmem:v3+s29+$0x0], $0xffff  }
0xe3: {  	v14 =	vld.idx.msk [tilespmem:v7+s1+$0x0], $0xffff  }
0xe4: {  	v16 =	vld.idx.msk [tilespmem:v6+s29+$0x0], $0xffff  }
0xe5: {  	v17 =	vld.idx.msk [tilespmem:v1+s29+$0x0], $0xffff  }
0xe6: {  	s21 =	simm.s32 $0x20;
	s24 =	simm.s32 $0x10;
	s19 =	sadd.s32 $0x60, s9;
	v18 =	vld.idx.msk [tilespmem:v0+s1+$0x0], $0xffff  }
0xe7: {  	s0 =	sadd.s32 $0xFFFFFFC0, s0;
	s9 =	sadd.s32 $0x50, s9;
	s10 =	sand.u32 $0xFFFFFF80, s19;
	v19 =	vld.idx.msk [tilespmem:v0+s29+$0x0], $0xffff  }
0xe8: {  	s9 =	sand.u32 $0xFFFFFF80, s9;
	s19 =	sand.u32 $0x60, s21;
	s17 =	sadd.s32 s10, s31;
	v20 =	vld.idx.msk [tilespmem:v1+s1+$0x0], $0xffff  }
0xe9: {  	s14 =	sadd.s32 s9, s31;
	s15 =	sand.u32 $0x50, s24;
	s16 =	sor.u32 s19, s17;
	v22 =	vld.idx.msk [tilespmem:v2+s29+$0x0], $0xffff;
	v21 =	vsub.f32 v14, v12  }
0xea: {  	s26 =	simm.s32 $0x0;
	s25 =	sadd.s32 $0x70, s0;
	s14 =	sor.u32 s15, s14;
	v12 =	vld [tilespmem:s16+$0x0];
	v16 =	vsub.f32 v10, v16  }
0xeb: {  	s28 =	sand.u32 $0xFFFFFF00, s26;
	s16 =	sand.u32 $0xFFFFFF80, s25;
	v10 =	vld [tilespmem:s14+$0x0];
	v24 =	vmul.f32 v21, v9  }
0xec: {  	s18 =	sor.u32 s18, s28;
	s10 =	sadd.s32 s10, s8;
	v14 =	vld.idx.msk [tilespmem:v4+s29+$0x0], $0xffff;
	s16 =	sor.u32 s11, s16;
	v25 =	vmul.f32 v21, v11;
	v11 =	vmul.f32 v16, v11  }
0xed: {  	s8 =	sadd.s32 s9, s8;
	s31 =	sadd.s32 $0x50, s0;
	s0 =	sadd.s32 $0x60, s0;
	v20 =	vsub.f32 v20, v18;
	v18 =	vld.idx.msk [tilespmem:v5+s29+$0x0], $0xffff;
	[tilespmem:s16+$0x18A00] =	vst v21;
	v21 =	vsub.f32 v17, v19  }
0xee: {  	s9 =	simm.s32 $0x12260;
	s7 =	sand.u32 $0xFFFFFF80, s31;
	s0 =	sand.u32 $0xFFFFFF80, s0;
	v17 =	vld.idx.msk [tilespmem:v4+s1+$0x0], $0xffff;
	v26 =	vmul.f32 v16, v9;
	[tilespmem:s16+$0x18A80] =	vst v16;
	v11 =	vsub.f32 v24, v11  }
0xef: {  	s10 =	sor.u32 s19, s10;
	s20 =	sor.u32 s19, s0;
	s14 =	sor.u32 s15, s7;
	v19 =	vld.idx.msk [tilespmem:v5+s1+$0x0], $0xffff;
	v9 =	vsub.f32 v13, v22;
	v22 =	vmul.f32 v21, v15;
	[tilespmem:s18+$0x18A80] =	vst v21  }
0xf0: {  	s7 =	simm.s32 $0x12F60;
	s11 =	sor.u32 s15, s8;
	s8 =	simm.s32 $0x40;
	v16 =	vld [tilespmem:s10+$0x0];
	v21 =	vmul.f32 v21, v23;
	v13 =	vadd.f32 v26, v25;
	v23 =	vmul.f32 v20, v23;
	[tilespmem:s16+$0x17000] =	vst v11  }
.LBB2_4:
0xf1: {  	s0 =	sand.u32 $0xFFFFFF80, s8  }
0xf2: {  	s15 =	sadd.s32 $0x70, s6;
	[tilespmem:s18+$0x18A00] =	vst v20;
	v24 =	vld [tilespmem:s11+$0x0];
	s11 =	smov.u32 s6;
	s6 =	sadd.s32 $0x40, s6  }
0xf3: {  	v15 =	vmul.f32 v20, v15;
	v25 =	vld [tilespmem:s9+$0xFFFFFFE0];
	s10 =	sshll.u32 s6, $0x2;
	s17 =	sadd.s32 $0x50, s11;
	s19 =	ssub.s32 s11, s0;
	v22 =	vsub.f32 v23, v22  }
0xf4: {  	v17 =	vsub.f32 v19, v17;
	v20 =	vld [tilespmem:s7+$0xFFFFFFE0];
	s23 =	sand.u32 $0x3FFFFE00, s10;
	s10 =	sand.u32 $0x50, s17;
	s24 =	sadd.s32 $0x70, s19  }
0xf5: {  	s26 =	sadd.s32 $0x50, s19;
	v15 =	vadd.f32 v21, v15;
	v14 =	vsub.f32 v18, v14;
	s17 =	sadd.s32 $0x13C00, s23;
	s28 =	sand.u32 $0xFFFFFF80, s24;
	[tilespmem:s18+$0x17000] =	vst v22;
	v19 =	vld.idx.msk [tilespmem:v2+s1+$0x0], $0xffff  }
0xf6: {  	s25 =	sand.u32 $0x70, s15;
	s19 =	sadd.s32 $0x60, s19;
	v18 =	vld [tilespmem:s7+$0xFFFFFFF0];
	s15 =	sadd.s32 s28, s17;
	v21 =	vmul.f32 v17, v16;
	[tilespmem:s20+$0x18A00] =	vst v17  }
0xf7: {  	s24 =	sadd.s32 $0x13C80, s23;
	s19 =	sand.u32 $0xFFFFFF80, s19;
	v17 =	vmul.f32 v17, v12;
	v12 =	vmul.f32 v14, v12;
	v23 =	vld [tilespmem:s7+$0x10];
	s15 =	sor.u32 s25, s15;
	[tilespmem:s18+$0x17080] =	vst v15  }
0xf8: {  	s0 =	sadd.s32 s11, s0;
	s23 =	sadd.s32 s28, s24;
	v16 =	vmul.f32 v14, v16;
	s18 =	sadd.s32 s19, s17;
	v26 =	vld [tilespmem:s7+$0x0];
	[tilespmem:s20+$0x18A80] =	vst v14  }
0xf9: {  	s11 =	sadd.s32 $0x60, s11;
	s28 =	sadd.s32 s19, s24;
	s31 =	sor.u32 s25, s23;
	v12 =	vadd.f32 v12, v21;
	v21 =	vadd.s32 $0x2800, v7;
	v14 =	vld [tilespmem:s9+$0x0];
	[tilespmem:s16+$0x17080] =	vst v13  }
0xfa: {  	s23 =	sand.u32 $0xFFFFFF80, s26;
	s19 =	sand.u32 $0x60, s11;
	v16 =	vsub.f32 v17, v16;
	s16 =	sadd.s32 $0x70, s0;
	[tilespmem:v7+s30+$0x0] =	vst.idx.add.f32.msk $0xffff, v11  }
0xfb: {  	s11 =	sadd.s32 s23, s17;
	s21 =	sadd.s32 s23, s24;
	s23 =	sor.u32 s19, s28;
	v17 =	vadd.s32 $0x2800, v6;
	v8 =	vsub.f32 v8, v19;
	v27 =	vld [tilespmem:s15+$0x0];
	[tilespmem:s14+$0x18A80] =	vst v9  }
0xfc: {  	s28 =	sadd.s32 $0x60, s0;
	s26 =	sor.u32 s10, s11;
	s11 =	sor.u32 s10, s21;
	v19 =	vld [tilespmem:s9+$0x10];
	[tilespmem:s20+$0x17080] =	vst v12;
	v7 =	vmov v23  }
0xfd: {  	p1 =	slt.u32 s6, $0xCC0;
	v28 =	vmul.f32 v9, v10;
	s0 =	sadd.s32 $0x50, s0;
	v11 =	vsub.f32 $0.0e+00, v11;
	v29 =	vmul.f32 v8, v24;
	v23 =	vld [tilespmem:s31+$0x0];
	[tilespmem:s14+$0x18A00] =	vst v8  }
0xfe: {  	v30 =	vadd.s32 $0x2800, v5;
	s31 =	sand.u32 $0xFFFFFF80, s0;
	[tilespmem:v21+s30+$0x0] =	vst.idx.add.f32.msk $0xffff, v13;
	v13 =	vsub.f32 $0.0e+00, v13  }
0xff: {  	v21 =	vsub.f32 $0.0e+00, v22;
	v28 =	vadd.f32 v28, v29;
	[tilespmem:v6+s30+$0x0] =	vst.idx.add.f32.msk $0xffff, v11  }
0x100: {  	v9 =	vmul.f32 v9, v24;
	v8 =	vmul.f32 v8, v10;
	v11 =	vsub.f32 $0.0e+00, v15;
	[tilespmem:v17+s30+$0x0] =	vst.idx.add.f32.msk $0xffff, v13  }
0x101: {  	v10 =	vld [tilespmem:s9+$0xFFFFFFF0];
	[tilespmem:s20+$0x17000] =	vst v16;
	v6 =	vmov v19  }
0x102: {  	v9 =	vsub.f32 v8, v9;
	[tilespmem:v5+s30+$0x0] =	vst.idx.add.f32.msk $0xffff, v16;
	v5 =	vmov v26  }
0x103: {  	[tilespmem:v30+s30+$0x0] =	vst.idx.add.f32.msk $0xffff, v12  }
0x104: {  	v8 =	vadd.s32 $0x2800, v1;
	v16 =	vsub.f32 $0.0e+00, v16;
	v13 =	vld.idx.msk [tilespmem:v7+s29+$0x0], $0xffff;
	[tilespmem:s14+$0x17000] =	vst v9  }
0x105: {  	v17 =	vld.idx.msk [tilespmem:v19+s1+$0x0], $0xffff;
	[tilespmem:s14+$0x17080] =	vst v28;
	v19 =	vadd.s32 $0x2800, v3  }
0x106: {  	[tilespmem:v4+s30+$0x0] =	vst.idx.add.f32.msk $0xffff, v16  }
0x107: {  	v16 =	vadd.s32 $0x2800, v0;
	[tilespmem:v3+s30+$0x0] =	vst.idx.add.f32.msk $0xffff, v9;
	v3 =	vmov v18  }
0x108: {  	[tilespmem:v1+s30+$0x0] =	vst.idx.add.f32.msk $0xffff, v22;
	v1 =	vmov v20  }
0x109: {  	[tilespmem:v8+s30+$0x0] =	vst.idx.add.f32.msk $0xffff, v15  }
0x10a: {  	s0 =	sor.u32 s19, s18;
	[tilespmem:v19+s30+$0x0] =	vst.idx.add.f32.msk $0xffff, v28  }
0x10b: {  	[tilespmem:v0+s30+$0x0] =	vst.idx.add.f32.msk $0xffff, v21;
	v0 =	vmov v25  }
0x10c: {  	[tilespmem:v16+s30+$0x0] =	vst.idx.add.f32.msk $0xffff, v11  }
0x10d: {  	v11 =	vadd.s32 $0x2800, v2;
	v8 =	vld.idx.msk [tilespmem:v18+s1+$0x0], $0xffff  }
0x10e: {  	v9 =	vsub.f32 $0.0e+00, v9;
	v15 =	vadd.s32 $0x2800, v4;
	v4 =	vmov v14;
	v16 =	vld.idx.msk [tilespmem:v18+s29+$0x0], $0xffff  }
0x10f: {  	v18 =	vld.idx.msk [tilespmem:v7+s1+$0x0], $0xffff  }
0x110: {  	[tilespmem:v2+s30+$0x0] =	vst.idx.add.f32.msk $0xffff, v9;
	v9 =	vsub.f32 $0.0e+00, v28;
	v2 =	vmov v10  }
0x111: {  	v12 =	vsub.f32 $0.0e+00, v12;
	v10 =	vld.idx.msk [tilespmem:v10+s29+$0x0], $0xffff  }
0x112: {  	[tilespmem:v11+s30+$0x0] =	vst.idx.add.f32.msk $0xffff, v9  }
0x113: {  	v14 =	vld.idx.msk [tilespmem:v14+s29+$0x0], $0xffff  }
0x114: {  	[tilespmem:v15+s30+$0x0] =	vst.idx.add.f32.msk $0xffff, v12  }
0x115: {  	s14 =	sand.u32 $0xFFFFFF80, s16;
	v9 =	vsub.f32 v18, v17;
	v11 =	vld.idx.msk [tilespmem:v6+s29+$0x0], $0xffff  }
0x116: {  	s16 =	sor.u32 s25, s14;
	v18 =	vld.idx.msk [tilespmem:v20+s29+$0x0], $0xffff  }
0x117: {  	v21 =	vmul.f32 v9, v27;
	v24 =	vmul.f32 v9, v23;
	v20 =	vld.idx.msk [tilespmem:v25+s1+$0x0], $0xffff;
	[tilespmem:s16+$0x18A00] =	vst v9  }
0x118: {  	s14 =	sand.u32 $0x40, s6;
	v19 =	vld.idx.msk [tilespmem:v25+s29+$0x0], $0xffff  }
0x119: {  	s15 =	sor.u32 s14, s17;
	v22 =	vld.idx.msk [tilespmem:v1+s1+$0x0], $0xffff  }
0x11a: {  	v25 =	vld [tilespmem:s15+$0x0];
	s15 =	sor.u32 s14, s24  }
0x11b: {  	v9 =	vsub.f32 v16, v10;
	v10 =	vsub.f32 v13, v11;
	v15 =	vld [tilespmem:s15+$0x0]  }
0x11c: {  	v12 =	vld [tilespmem:s0+$0x0]  }
.Ltmp3:
0x11d: {  	s0 =	sshll.u32 s6, $0x1;
	v11 =	vmul.f32 v10, v23;
	v13 =	vmul.f32 v10, v27;
	v17 =	vld.idx.msk [tilespmem:v4+s1+$0x0], $0xffff;
	[tilespmem:s16+$0x18A80] =	vst v10;
	(pc) =	sbr.rel @p1 .LBB2_4-.Ltmp3, $4  }
0x11e: {  	v10 =	vsub.f32 v18, v19;
	s0 =	sand.u32 $0xFFFFFF00, s0;
	v19 =	vld.idx.msk [tilespmem:v5+s1+$0x0], $0xffff  }
0x11f: {  	v20 =	vsub.f32 v22, v20;
	s18 =	sor.u32 s14, s0;
	v11 =	vsub.f32 v21, v11;
	v18 =	vld.idx.msk [tilespmem:v5+s29+$0x0], $0xffff  }
0x120: {  	s7 =	sadd.s32 $0x40, s7;
	s14 =	sor.u32 s10, s31;
	s0 =	sand.u32 $0xFFFFFF80, s28;
	v13 =	vadd.f32 v13, v24;
	v21 =	vmul.f32 v10, v25;
	v22 =	vmul.f32 v10, v15;
	[tilespmem:s18+$0x18A80] =	vst v10;
	v10 =	vld [tilespmem:s26+$0x0]  }
0x121: {  	s8 =	sadd.s32 $0x40, s8;
	s9 =	sadd.s32 $0x40, s9;
	s20 =	sor.u32 s19, s0;
	v23 =	vmul.f32 v20, v25;
	v16 =	vld [tilespmem:s23+$0x0];
	[tilespmem:s16+$0x17000] =	vst v11  }
0x122: {  	_ =	sdelay $0x2  }
0x123: {  	[tilespmem:s18+$0x18A00] =	vst v20  }
0x124: {  	v15 =	vmul.f32 v20, v15;
	[tilespmem:s16+$0x17080] =	vst v13;
	v17 =	vsub.f32 v19, v17;
	v19 =	vld.idx.msk [tilespmem:v2+s1+$0x0], $0xffff  }
0x125: {  	v22 =	vsub.f32 v23, v22;
	[tilespmem:v7+s30+$0x0] =	vst.idx.add.f32.msk $0xffff, v11  }
0x126: {  	v15 =	vadd.f32 v21, v15;
	v21 =	vld [tilespmem:s11+$0x0];
	[tilespmem:s14+$0x18A80] =	vst v9  }
0x127: {  	v23 =	vadd.s32 $0x2800, v7;
	[tilespmem:s18+$0x17000] =	vst v22  }
0x128: {  	v14 =	vsub.f32 v18, v14;
	[tilespmem:s20+$0x18A00] =	vst v17  }
0x129: {  	[tilespmem:s18+$0x17080] =	vst v15  }
0x12a: {  	v18 =	vmul.f32 v17, v16;
	v20 =	vmul.f32 v14, v12;
	[tilespmem:s20+$0x18A80] =	vst v14  }
0x12b: {  	v11 =	vsub.f32 $0.0e+00, v11;
	v12 =	vmul.f32 v17, v12;
	v14 =	vmul.f32 v14, v16;
	[tilespmem:v1+s30+$0x0] =	vst.idx.add.f32.msk $0xffff, v22  }
0x12c: {  	v18 =	vadd.f32 v20, v18;
	v7 =	vsub.f32 v8, v19;
	v8 =	vadd.s32 $0x2800, v6;
	[tilespmem:v23+s30+$0x0] =	vst.idx.add.f32.msk $0xffff, v13  }
0x12d: {  	[tilespmem:v6+s30+$0x0] =	vst.idx.add.f32.msk $0xffff, v11  }
0x12e: {  	v16 =	vadd.s32 $0x2800, v5;
	v12 =	vsub.f32 v12, v14;
	[tilespmem:s20+$0x17080] =	vst v18  }
0x12f: {  	v13 =	vsub.f32 $0.0e+00, v13;
	[tilespmem:s14+$0x18A00] =	vst v7  }
0x130: {  	v11 =	vmul.f32 v9, v21;
	v6 =	vmul.f32 v7, v10;
	[tilespmem:s20+$0x17000] =	vst v12  }
0x131: {  	v7 =	vmul.f32 v7, v21;
	[tilespmem:v8+s30+$0x0] =	vst.idx.add.f32.msk $0xffff, v13;
	v8 =	vmul.f32 v9, v10  }
0x132: {  	[tilespmem:v5+s30+$0x0] =	vst.idx.add.f32.msk $0xffff, v12;
	v6 =	vsub.f32 v6, v11  }
0x133: {  	[tilespmem:v16+s30+$0x0] =	vst.idx.add.f32.msk $0xffff, v18;
	v9 =	vadd.s32 $0x2800, v3;
	v5 =	vadd.f32 v8, v7  }
0x134: {  	[tilespmem:s14+$0x17000] =	vst v6;
	v7 =	vadd.s32 $0x2800, v1;
	v8 =	vsub.f32 $0.0e+00, v12  }
0x135: {  	[tilespmem:s14+$0x17080] =	vst v5  }
0x136: {  	[tilespmem:v4+s30+$0x0] =	vst.idx.add.f32.msk $0xffff, v8;
	v8 =	vadd.s32 $0x2800, v0  }
0x137: {  	[tilespmem:v3+s30+$0x0] =	vst.idx.add.f32.msk $0xffff, v6  }
0x138: {  	v1 =	vsub.f32 $0.0e+00, v22;
	v3 =	vadd.s32 $0x2800, v2;
	[tilespmem:v9+s30+$0x0] =	vst.idx.add.f32.msk $0xffff, v5  }
0x139: {  	v4 =	vadd.s32 $0x2800, v4;
	[tilespmem:v7+s30+$0x0] =	vst.idx.add.f32.msk $0xffff, v15;
	v7 =	vsub.f32 $0.0e+00, v15  }
0x13a: {  	[tilespmem:v0+s30+$0x0] =	vst.idx.add.f32.msk $0xffff, v1;
	v0 =	vsub.f32 $0.0e+00, v6  }
0x13b: {  	v1 =	vsub.f32 $0.0e+00, v5;
	[tilespmem:v8+s30+$0x0] =	vst.idx.add.f32.msk $0xffff, v7  }
0x13c: {  	[tilespmem:v2+s30+$0x0] =	vst.idx.add.f32.msk $0xffff, v0;
	v0 =	vsub.f32 $0.0e+00, v18  }
0x13d: {  	[tilespmem:v3+s30+$0x0] =	vst.idx.add.f32.msk $0xffff, v1  }
0x13e: {  	[tilespmem:v4+s30+$0x0] =	vst.idx.add.f32.msk $0xffff, v0  }
0x13f: {  	s0 =	simm.s32 $0x0;
	s7 =	simm.s32 $0x17000;
	s6 =	rddreg [dreg:$0x16]  }
0x140: {  	[hbm4b:s6+s0] =	stream.linear.scatter [tilespmem:s7], [sflag:$0x5], $0x1A00, $0x38;
	[tilespmem:$0x1A400] =	vst v63  }
0x141: {  	s21 =	simm.s32 $0x18A00;
	s20 =	rddreg [dreg:$0x17]  }
0x142: {  	[hbm4b:s20+s0] =	stream.linear.scatter [tilespmem:s21], [sflag:$0x5], $0x1A00, $0x38;
	[tilespmem:$0x1A400] =	vst v63  }
0x143: {  	_ =	swait.ge [sflag:s13], $0xD00  }
0x144: {  	[sflag:s13] =	ssyncset.done $0x0  }
0x145: {  	[sflag:s13] =	ssyncadd.s32 $0xFFFFF300  }
0x146: {  	_ =	swait.ge [sflag:s13], $0xD00  }
0x147: {  	[sflag:s13] =	ssyncset.done $0x0  }
0x148: {  	[sflag:s13] =	ssyncadd.s32 $0xFFFFF300  }
0x149: {  	_ =	swait.ge [sflag:s13], $0x3400  }
0x14a: {  	[sflag:s13] =	ssyncset.done $0x0  }
0x14b: {  	[sflag:s13] =	ssyncadd.s32 $0xFFFFCC00  }
0x14c: {  	_ =	swait.ge [sflag:s2], $0x1A00  }
0x14d: {  	[sflag:s2] =	ssyncset.done $0x0  }
0x14e: {  	[sflag:s2] =	ssyncadd.s32 $0xFFFFE600  }
0x14f: {  	_ =	swait.ge [sflag:s2], $0x1A00  }
0x150: {  	[sflag:s2] =	ssyncset.done $0x0  }
0x151: {  	s23 =	simm.s32 $0xA020;
	[sflag:s2] =	ssyncadd.s32 $0xFFFFE600  }
0x152: {  	s24 =	simm.s32 $0xAD20;
	v0 =	vld [tilespmem:s23+$0xFFFFFFE0]  }
0x153: {  	v1 =	vld [tilespmem:s24+$0xFFFFFFE0]  }
0x154: {  	s0 =	sand.u32 $0xFFFFFF80, s0;
	v7 =	vld [tilespmem:s24+$0x10]  }
0x155: {  	s8 =	simm.s32 $0x0;
	s9 =	ssub.s32 $0xFFFFFFC0, s0;
	v6 =	vld [tilespmem:s23+$0x10]  }
0x156: {  	s25 =	simm.s32 $0x30;
	s8 =	sand.u32 $0x3FFFFE00, s8;
	s10 =	sadd.s32 $0x70, s9;
	v3 =	vld [tilespmem:s24+$0xFFFFFFF0]  }
0x157: {  	s28 =	sand.u32 $0x70, s25;
	s26 =	sadd.s32 $0xBA00, s8;
	s10 =	sand.u32 $0xFFFFFF80, s10;
	v5 =	vld [tilespmem:s24+$0x0]  }
0x158: {  	s8 =	sadd.s32 $0xBA80, s8;
	s6 =	simm.s32 $0x0;
	s31 =	sadd.s32 s10, s26;
	v4 =	vld [tilespmem:s23+$0x0]  }
0x159: {  	s17 =	sadd.s32 $0x60, s9;
	s10 =	sadd.s32 s10, s8;
	s11 =	sor.u32 s28, s31;
	v2 =	vld [tilespmem:s23+$0xFFFFFFF0]  }
0x15a: {  	s18 =	sand.u32 $0xFFFFFF80, s17;
	s17 =	sand.u32 $0x40, s6;
	s15 =	sor.u32 s28, s10;
	v9 =	vld [tilespmem:s11+$0x0]  }
0x15b: {  	s20 =	sor.u32 s17, s26;
	v11 =	vld [tilespmem:s15+$0x0]  }
0x15c: {  	s21 =	sor.u32 s17, s8;
	v23 =	vld [tilespmem:s20+$0x0]  }
0x15d: {  	v15 =	vld [tilespmem:s21+$0x0]  }
0x15e: {  	v12 =	vld.idx.msk [tilespmem:v7+s29+$0x0], $0xffff  }
0x15f: {  	v13 =	vld.idx.msk [tilespmem:v6+s1+$0x0], $0xffff  }
0x160: {  	v8 =	vld.idx.msk [tilespmem:v3+s1+$0x0], $0xffff  }
0x161: {  	v17 =	vld.idx.msk [tilespmem:v3+s29+$0x0], $0xffff  }
0x162: {  	v14 =	vld.idx.msk [tilespmem:v7+s1+$0x0], $0xffff  }
0x163: {  	v16 =	vld.idx.msk [tilespmem:v6+s29+$0x0], $0xffff  }
0x164: {  	v18 =	vld.idx.msk [tilespmem:v1+s29+$0x0], $0xffff  }
0x165: {  	v20 =	vld.idx.msk [tilespmem:v0+s1+$0x0], $0xffff  }
0x166: {  	s16 =	simm.s32 $0x10;
	s19 =	simm.s32 $0x20;
	s9 =	sadd.s32 $0x50, s9;
	v19 =	vld.idx.msk [tilespmem:v0+s29+$0x0], $0xffff  }
0x167: {  	s19 =	sand.u32 $0x60, s19;
	s0 =	sadd.s32 $0xFFFFFFC0, s0;
	s9 =	sand.u32 $0xFFFFFF80, s9;
	v22 =	vld.idx.msk [tilespmem:v1+s1+$0x0], $0xffff  }
0x168: {  	s14 =	sadd.s32 s9, s26;
	s10 =	sadd.s32 s18, s8;
	s11 =	sadd.s32 s18, s26;
	v21 =	vld.idx.msk [tilespmem:v2+s29+$0x0], $0xffff;
	v13 =	vsub.f32 v14, v13  }
0x169: {  	s8 =	sadd.s32 s9, s8;
	s23 =	sadd.s32 $0x70, s0;
	s11 =	sor.u32 s19, s11;
	v10 =	vld.idx.msk [tilespmem:v4+s29+$0x0], $0xffff;
	v12 =	vsub.f32 v12, v16  }
0x16a: {  	s31 =	sadd.s32 $0x50, s0;
	s9 =	simm.s32 $0xA060;
	s25 =	sand.u32 $0xFFFFFF80, s23;
	v14 =	vld [tilespmem:s11+$0x0];
	v24 =	vmul.f32 v13, v9  }
0x16b: {  	s15 =	sand.u32 $0x50, s16;
	s16 =	sor.u32 s28, s25;
	s28 =	simm.s32 $0x0;
	v16 =	vld.idx.msk [tilespmem:v4+s1+$0x0], $0xffff;
	v25 =	vmul.f32 v13, v11;
	v11 =	vmul.f32 v12, v11  }
0x16c: {  	s24 =	sor.u32 s19, s10;
	s0 =	sadd.s32 $0x60, s0;
	s7 =	sand.u32 $0xFFFFFF00, s28;
	v26 =	vsub.f32 v18, v19;
	v19 =	vld.idx.msk [tilespmem:v5+s1+$0x0], $0xffff;
	v20 =	vsub.f32 v22, v20;
	[tilespmem:s16+$0x10800] =	vst v13  }
0x16d: {  	s10 =	sor.u32 s15, s8;
	s8 =	sand.u32 $0xFFFFFF80, s31;
	s18 =	sor.u32 s17, s7;
	v18 =	vld.idx.msk [tilespmem:v5+s29+$0x0], $0xffff;
	v13 =	vmul.f32 v12, v9;
	[tilespmem:s16+$0x10880] =	vst v12;
	v12 =	vsub.f32 v24, v11  }
0x16e: {  	s26 =	sor.u32 s15, s14;
	s0 =	sand.u32 $0xFFFFFF80, s0;
	s14 =	sor.u32 s15, s8;
	v9 =	vsub.f32 v17, v21;
	v22 =	vmul.f32 v26, v15;
	[tilespmem:s18+$0x10880] =	vst v26;
	v17 =	vld [tilespmem:s24+$0x0]  }
0x16f: {  	s20 =	sor.u32 s19, s0;
	s8 =	simm.s32 $0x40;
	s7 =	simm.s32 $0xAD60;
	v21 =	vmul.f32 v26, v23;
	v23 =	vmul.f32 v20, v23;
	v11 =	vld [tilespmem:s26+$0x0];
	v13 =	vadd.f32 v13, v25;
	[tilespmem:s16+$0xEE00] =	vst v12  }
.LBB2_6:
0x170: {  	s0 =	sand.u32 $0xFFFFFF80, s8  }
0x171: {  	s15 =	sadd.s32 $0x70, s6;
	[tilespmem:s18+$0x10800] =	vst v20;
	v24 =	vld [tilespmem:s10+$0x0];
	s10 =	smov.u32 s6;
	s6 =	sadd.s32 $0x40, s6  }
0x172: {  	v15 =	vmul.f32 v20, v15;
	v25 =	vld [tilespmem:s9+$0xFFFFFFE0];
	s11 =	sshll.u32 s6, $0x2;
	s17 =	sadd.s32 $0x50, s10;
	s19 =	ssub.s32 s10, s0;
	v22 =	vsub.f32 v23, v22  }
0x173: {  	v16 =	vsub.f32 v19, v16;
	v20 =	vld [tilespmem:s7+$0xFFFFFFE0];
	s21 =	sand.u32 $0x3FFFFE00, s11;
	s11 =	sand.u32 $0x50, s17;
	s23 =	sadd.s32 $0x70, s19  }
0x174: {  	s26 =	sadd.s32 $0x50, s19;
	v15 =	vadd.f32 v21, v15;
	v10 =	vsub.f32 v18, v10;
	s17 =	sadd.s32 $0xBA00, s21;
	s23 =	sand.u32 $0xFFFFFF80, s23;
	[tilespmem:s18+$0xEE00] =	vst v22;
	v19 =	vld.idx.msk [tilespmem:v2+s1+$0x0], $0xffff  }
0x175: {  	s25 =	sand.u32 $0x70, s15;
	s19 =	sadd.s32 $0x60, s19;
	v18 =	vld [tilespmem:s7+$0xFFFFFFF0];
	s15 =	sadd.s32 s23, s17;
	v21 =	vmul.f32 v16, v17;
	[tilespmem:s20+$0x10800] =	vst v16  }
0x176: {  	s24 =	sadd.s32 $0xBA80, s21;
	s19 =	sand.u32 $0xFFFFFF80, s19;
	v16 =	vmul.f32 v16, v14;
	v14 =	vmul.f32 v10, v14;
	v23 =	vld [tilespmem:s7+$0x10];
	s15 =	sor.u32 s25, s15;
	[tilespmem:s18+$0xEE80] =	vst v15  }
0x177: {  	s0 =	sadd.s32 s10, s0;
	s21 =	sadd.s32 s23, s24;
	v17 =	vmul.f32 v10, v17;
	s18 =	sadd.s32 s19, s17;
	v26 =	vld [tilespmem:s7+$0x0];
	[tilespmem:s20+$0x10880] =	vst v10  }
0x178: {  	s10 =	sadd.s32 $0x60, s10;
	s23 =	sadd.s32 s19, s24;
	s21 =	sor.u32 s25, s21;
	v14 =	vadd.f32 v14, v21;
	v21 =	vadd.s32 $0x2800, v7;
	v10 =	vld [tilespmem:s9+$0x0];
	[tilespmem:s16+$0xEE80] =	vst v13  }
0x179: {  	s26 =	sand.u32 $0xFFFFFF80, s26;
	s19 =	sand.u32 $0x60, s10;
	v16 =	vsub.f32 v16, v17;
	s16 =	sadd.s32 $0x70, s0;
	[tilespmem:v7+s30+$0x0] =	vst.idx.add.f32.msk $0xffff, v12  }
0x17a: {  	s28 =	sadd.s32 s26, s24;
	s10 =	sadd.s32 s26, s17;
	s23 =	sor.u32 s19, s23;
	v8 =	vsub.f32 v8, v19;
	v19 =	vadd.s32 $0x2800, v6;
	v17 =	vld [tilespmem:s15+$0x0];
	[tilespmem:s14+$0x10880] =	vst v9  }
0x17b: {  	s26 =	sor.u32 s11, s10;
	s10 =	sor.u32 s11, s28;
	s28 =	sadd.s32 $0x60, s0;
	v27 =	vld [tilespmem:s9+$0x10];
	[tilespmem:s20+$0xEE80] =	vst v14;
	v7 =	vmov v23  }
0x17c: {  	p1 =	slt.u32 s6, $0xCC0;
	v28 =	vmul.f32 v9, v11;
	s0 =	sadd.s32 $0x50, s0;
	v12 =	vsub.f32 $0.0e+00, v12;
	v29 =	vmul.f32 v8, v24;
	v23 =	vld [tilespmem:s21+$0x0];
	[tilespmem:s14+$0x10800] =	vst v8  }
0x17d: {  	v30 =	vadd.s32 $0x2800, v5;
	s31 =	sand.u32 $0xFFFFFF80, s0;
	[tilespmem:v21+s30+$0x0] =	vst.idx.add.f32.msk $0xffff, v13;
	v13 =	vsub.f32 $0.0e+00, v13  }
0x17e: {  	v21 =	vsub.f32 $0.0e+00, v22;
	v28 =	vadd.f32 v28, v29;
	[tilespmem:v6+s30+$0x0] =	vst.idx.add.f32.msk $0xffff, v12  }
0x17f: {  	v9 =	vmul.f32 v9, v24;
	v8 =	vmul.f32 v8, v11;
	v12 =	vsub.f32 $0.0e+00, v15;
	[tilespmem:v19+s30+$0x0] =	vst.idx.add.f32.msk $0xffff, v13  }
0x180: {  	v11 =	vld [tilespmem:s9+$0xFFFFFFF0];
	[tilespmem:s20+$0xEE00] =	vst v16;
	v6 =	vmov v27  }
0x181: {  	v9 =	vsub.f32 v8, v9;
	[tilespmem:v5+s30+$0x0] =	vst.idx.add.f32.msk $0xffff, v16;
	v5 =	vmov v26  }
0x182: {  	[tilespmem:v30+s30+$0x0] =	vst.idx.add.f32.msk $0xffff, v14  }
0x183: {  	v8 =	vadd.s32 $0x2800, v1;
	v16 =	vsub.f32 $0.0e+00, v16;
	v13 =	vld.idx.msk [tilespmem:v7+s29+$0x0], $0xffff;
	[tilespmem:s14+$0xEE00] =	vst v9  }
0x184: {  	v24 =	vadd.s32 $0x2800, v3;
	v19 =	vld.idx.msk [tilespmem:v27+s1+$0x0], $0xffff;
	[tilespmem:s14+$0xEE80] =	vst v28  }
0x185: {  	[tilespmem:v4+s30+$0x0] =	vst.idx.add.f32.msk $0xffff, v16  }
0x186: {  	v16 =	vadd.s32 $0x2800, v0;
	[tilespmem:v3+s30+$0x0] =	vst.idx.add.f32.msk $0xffff, v9;
	v3 =	vmov v18  }
0x187: {  	[tilespmem:v1+s30+$0x0] =	vst.idx.add.f32.msk $0xffff, v22;
	v1 =	vmov v20  }
0x188: {  	[tilespmem:v8+s30+$0x0] =	vst.idx.add.f32.msk $0xffff, v15  }
0x189: {  	s0 =	sor.u32 s19, s18;
	[tilespmem:v24+s30+$0x0] =	vst.idx.add.f32.msk $0xffff, v28  }
0x18a: {  	[tilespmem:v0+s30+$0x0] =	vst.idx.add.f32.msk $0xffff, v21;
	v0 =	vmov v25  }
0x18b: {  	[tilespmem:v16+s30+$0x0] =	vst.idx.add.f32.msk $0xffff, v12  }
0x18c: {  	v12 =	vadd.s32 $0x2800, v2;
	v8 =	vld.idx.msk [tilespmem:v18+s1+$0x0], $0xffff  }
0x18d: {  	v9 =	vsub.f32 $0.0e+00, v9;
	v15 =	vadd.s32 $0x2800, v4;
	v4 =	vmov v10;
	v16 =	vld.idx.msk [tilespmem:v18+s29+$0x0], $0xffff  }
0x18e: {  	v18 =	vld.idx.msk [tilespmem:v7+s1+$0x0], $0xffff  }
0x18f: {  	[tilespmem:v2+s30+$0x0] =	vst.idx.add.f32.msk $0xffff, v9;
	v9 =	vsub.f32 $0.0e+00, v28;
	v2 =	vmov v11  }
0x190: {  	v14 =	vsub.f32 $0.0e+00, v14;
	v11 =	vld.idx.msk [tilespmem:v11+s29+$0x0], $0xffff  }
0x191: {  	[tilespmem:v12+s30+$0x0] =	vst.idx.add.f32.msk $0xffff, v9  }
0x192: {  	v10 =	vld.idx.msk [tilespmem:v10+s29+$0x0], $0xffff  }
0x193: {  	[tilespmem:v15+s30+$0x0] =	vst.idx.add.f32.msk $0xffff, v14  }
0x194: {  	s14 =	sand.u32 $0xFFFFFF80, s16;
	v9 =	vsub.f32 v18, v19;
	v12 =	vld.idx.msk [tilespmem:v6+s29+$0x0], $0xffff  }
0x195: {  	s16 =	sor.u32 s25, s14;
	v18 =	vld.idx.msk [tilespmem:v20+s29+$0x0], $0xffff  }
0x196: {  	v21 =	vmul.f32 v9, v17;
	v24 =	vmul.f32 v9, v23;
	v20 =	vld.idx.msk [tilespmem:v25+s1+$0x0], $0xffff;
	[tilespmem:s16+$0x10800] =	vst v9  }
0x197: {  	s14 =	sand.u32 $0x40, s6;
	v19 =	vld.idx.msk [tilespmem:v25+s29+$0x0], $0xffff  }
0x198: {  	s15 =	sor.u32 s14, s17;
	v22 =	vld.idx.msk [tilespmem:v1+s1+$0x0], $0xffff  }
0x199: {  	v25 =	vld [tilespmem:s15+$0x0];
	s15 =	sor.u32 s14, s24  }
0x19a: {  	v9 =	vsub.f32 v16, v11;
	v11 =	vsub.f32 v13, v12;
	v15 =	vld [tilespmem:s15+$0x0]  }
0x19b: {  	v14 =	vld [tilespmem:s0+$0x0]  }
.Ltmp4:
0x19c: {  	s0 =	sshll.u32 s6, $0x1;
	v12 =	vmul.f32 v11, v23;
	v13 =	vmul.f32 v11, v17;
	v16 =	vld.idx.msk [tilespmem:v4+s1+$0x0], $0xffff;
	[tilespmem:s16+$0x10880] =	vst v11;
	(pc) =	sbr.rel @p1 .LBB2_6-.Ltmp4, $4  }
0x19d: {  	v11 =	vsub.f32 v18, v19;
	s0 =	sand.u32 $0xFFFFFF00, s0;
	v19 =	vld.idx.msk [tilespmem:v5+s1+$0x0], $0xffff  }
0x19e: {  	v20 =	vsub.f32 v22, v20;
	s18 =	sor.u32 s14, s0;
	v12 =	vsub.f32 v21, v12;
	v18 =	vld.idx.msk [tilespmem:v5+s29+$0x0], $0xffff  }
0x19f: {  	s7 =	sadd.s32 $0x40, s7;
	s14 =	sor.u32 s11, s31;
	s0 =	sand.u32 $0xFFFFFF80, s28;
	v13 =	vadd.f32 v13, v24;
	v21 =	vmul.f32 v11, v25;
	v22 =	vmul.f32 v11, v15;
	[tilespmem:s18+$0x10880] =	vst v11;
	v11 =	vld [tilespmem:s26+$0x0]  }
0x1a0: {  	s8 =	sadd.s32 $0x40, s8;
	s9 =	sadd.s32 $0x40, s9;
	s20 =	sor.u32 s19, s0;
	v23 =	vmul.f32 v20, v25;
	v17 =	vld [tilespmem:s23+$0x0];
	[tilespmem:s16+$0xEE00] =	vst v12  }
0x1a1: {  	_ =	sdelay $0x2  }
0x1a2: {  	[tilespmem:s18+$0x10800] =	vst v20  }
0x1a3: {  	v38 =	vld.idx.msk [tilespmem:v2+s1+$0x0], $0xffff;
	[tilespmem:s16+$0xEE80] =	vst v13  }
0x1a4: {  	v15 =	vmul.f32 v20, v15;
	v41 =	vld [tilespmem:s10+$0x0];
	[tilespmem:s14+$0x10880] =	vst v9;
	v22 =	vsub.f32 v23, v22  }
0x1a5: {  	v42 =	vadd.s32 $0x2800, v7;
	v16 =	vsub.f32 v19, v16;
	[tilespmem:v7+s30+$0x0] =	vst.idx.add.f32.msk $0xffff, v12  }
0x1a6: {  	v15 =	vadd.f32 v21, v15;
	[tilespmem:s18+$0xEE00] =	vst v22  }
0x1a7: {  	v10 =	vsub.f32 v18, v10;
	[tilespmem:s20+$0x10800] =	vst v16  }
0x1a8: {  	v53 =	vadd.s32 $0x2800, v1;
	[tilespmem:s18+$0xEE80] =	vst v15  }
0x1a9: {  	[tilespmem:s20+$0x10880] =	vst v10  }
0x1aa: {  	v44 =	vadd.s32 $0x2800, v6;
	v46 =	vsub.f32 $0.0e+00, v12;
	[tilespmem:v42+s30+$0x0] =	vst.idx.add.f32.msk $0xffff, v13  }
0x1ab: {  	[tilespmem:v1+s30+$0x0] =	vst.idx.add.f32.msk $0xffff, v22  }
0x1ac: {  	v48 =	vsub.f32 $0.0e+00, v13;
	v43 =	vsub.f32 v8, v38;
	[tilespmem:v6+s30+$0x0] =	vst.idx.add.f32.msk $0xffff, v46  }
0x1ad: {  	v56 =	vadd.s32 $0x2800, v0;
	v39 =	vmul.f32 v16, v17;
	v40 =	vmul.f32 v10, v14;
	[tilespmem:v53+s30+$0x0] =	vst.idx.add.f32.msk $0xffff, v15  }
0x1ae: {  	v45 =	vmul.f32 v16, v14;
	v57 =	vsub.f32 $0.0e+00, v22;
	v10 =	vmul.f32 v10, v17;
	[tilespmem:s14+$0x10800] =	vst v43  }
0x1af: {  	v18 =	vadd.f32 v40, v39;
	[tilespmem:v44+s30+$0x0] =	vst.idx.add.f32.msk $0xffff, v48  }
0x1b0: {  	v47 =	vadd.s32 $0x2800, v5;
	v10 =	vsub.f32 v45, v10;
	[tilespmem:v0+s30+$0x0] =	vst.idx.add.f32.msk $0xffff, v57  }
0x1b1: {  	v59 =	vsub.f32 $0.0e+00, v15;
	[tilespmem:s20+$0xEE80] =	vst v18  }
0x1b2: {  	v50 =	vmul.f32 v9, v41;
	v49 =	vmul.f32 v43, v11;
	[tilespmem:s20+$0xEE00] =	vst v10  }
0x1b3: {  	v51 =	vmul.f32 v9, v11;
	v7 =	vmul.f32 v43, v41;
	[tilespmem:v56+s30+$0x0] =	vst.idx.add.f32.msk $0xffff, v59  }
0x1b4: {  	v6 =	vsub.f32 v49, v50;
	[tilespmem:v5+s30+$0x0] =	vst.idx.add.f32.msk $0xffff, v10  }
0x1b5: {  	v60 =	vadd.s32 $0x2800, v4;
	v52 =	vadd.f32 v51, v7;
	[tilespmem:v47+s30+$0x0] =	vst.idx.add.f32.msk $0xffff, v18  }
0x1b6: {  	v55 =	vadd.s32 $0x2800, v3;
	v54 =	vsub.f32 $0.0e+00, v10;
	[tilespmem:s14+$0xEE00] =	vst v6  }
0x1b7: {  	[tilespmem:s14+$0xEE80] =	vst v52  }
0x1b8: {  	v58 =	vadd.s32 $0x2800, v2;
	v63 =	vsub.f32 $0.0e+00, v18;
	[tilespmem:v4+s30+$0x0] =	vst.idx.add.f32.msk $0xffff, v54  }
0x1b9: {  	[tilespmem:v3+s30+$0x0] =	vst.idx.add.f32.msk $0xffff, v6  }
0x1ba: {  	v61 =	vsub.f32 $0.0e+00, v6;
	[tilespmem:v60+s30+$0x0] =	vst.idx.add.f32.msk $0xffff, v63  }
0x1bb: {  	v62 =	vsub.f32 $0.0e+00, v52;
	[tilespmem:v55+s30+$0x0] =	vst.idx.add.f32.msk $0xffff, v52  }
0x1bc: {  	[tilespmem:v2+s30+$0x0] =	vst.idx.add.f32.msk $0xffff, v61  }
0x1bd: {  	[tilespmem:v58+s30+$0x0] =	vst.idx.add.f32.msk $0xffff, v62  }
0x1be: {  	s6 =	simm.s32 $0xEE00;
	s0 =	rddreg [dreg:$0x18]  }
0x1bf: {  	[hbm4b:s0+s1] =	stream.linear.scatter [tilespmem:s6], [sflag:$0x3], $0x1A00, $0x38;
	[tilespmem:$0x1A400] =	vst v63  }
0x1c0: {  	s31 =	simm.s32 $0x10800;
	s28 =	rddreg [dreg:$0x19]  }
0x1c1: {  	[hbm4b:s28+s1] =	stream.linear.scatter [tilespmem:s31], [sflag:$0x3], $0x1A00, $0x38;
	[tilespmem:$0x1A400] =	vst v63  }
0x1c2: {  	_ =	swait.ge [sflag:s3], $0x1A00  }
0x1c3: {  	[sflag:s3] =	ssyncset.done $0x0  }
0x1c4: {  	[sflag:s3] =	ssyncadd.s32 $0xFFFFE600  }
0x1c5: {  	_ =	swait.ge [sflag:s3], $0x1A00  }
0x1c6: {  	[sflag:s3] =	ssyncset.done $0x0  }
0x1c7: {  	[sflag:s3] =	ssyncadd.s32 $0xFFFFE600  }
0x1c8: {  	_ =	swait.ge [sflag:s2], $0x1A00  }
.Ltmp5:
0x1c9: {  	[sflag:s2] =	ssyncset.done $0x0;
	(pc) =	sbr.rel @p0 .LBB2_11-.Ltmp5, $4  }
0x1ca: {  	[sflag:s2] =	ssyncadd.s32 $0xFFFFE600  }
0x1cb: {  	_ =	swait.ge [sflag:s2], $0x1A00  }
0x1cc: {  	[sflag:s2] =	ssyncset.done $0x0  }
0x1cd: {  	s21 =	simm.s32 $0xA000;
	[sflag:s2] =	ssyncadd.s32 $0xFFFFE600  }
0x1ce: {  	s6 =	simm.s32 $0x0;
	s0 =	rddreg [dreg:$0x12]  }
0x1cf: {  	[tilespmem:s21], [sflag:$0x6] =	stream.linear.gather [hbm4b:s0+s6], $0x80, $0x38;
	[tilespmem:$0x1A400] =	vst v63  }
0x1d0: {  	_ =	swait.ge [sflag:s4], $0x80  }
0x1d1: {  	[sflag:s4] =	ssyncset.done $0x0  }
0x1d2: {  	s7 =	simm.s32 $0xAD00;
	s26 =	rddreg [dreg:$0x13];
	[sflag:s4] =	ssyncadd.s32 $0xFFFFFF80  }
0x1d3: {  	[tilespmem:s7], [sflag:$0x6] =	stream.linear.gather [hbm4b:s26+s6], $0x80, $0x38;
	[tilespmem:$0x1A400] =	vst v63  }
0x1d4: {  	_ =	swait.ge [sflag:s4], $0x80  }
0x1d5: {  	[sflag:s4] =	ssyncset.done $0x0  }
0x1d6: {  	s31 =	simm.s32 $0xBA00;
	s28 =	rddreg [dreg:$0x15];
	[sflag:s4] =	ssyncadd.s32 $0xFFFFFF80  }
0x1d7: {  	[tilespmem:s31], [sflag:$0x6] =	stream.linear.gather [hbm4b:s28+s6], $0x200, $0x38;
	[tilespmem:$0x1A400] =	vst v63  }
0x1d8: {  	_ =	swait.ge [sflag:s4], $0x200  }
0x1d9: {  	[sflag:s4] =	ssyncset.done $0x0  }
0x1da: {  	p1 =	por $0x1, $0x1;
	[sflag:s4] =	ssyncadd.s32 $0xFFFFFE00  }
.LBB2_9:
0x1db: {  	v0 =	vld [tilespmem:s6+$0xAD00]  }
0x1dc: {  	v1 =	vld [tilespmem:s6+$0xA000]  }
0x1dd: {  	v5 =	vld [tilespmem:s6+$0xAD10]  }
0x1de: {  	v7 =	vld [tilespmem:s6+$0xA010]  }
0x1df: {  	v8 =	vld [tilespmem:s6+$0xBA00]  }
0x1e0: {  	v9 =	vld [tilespmem:s6+$0xBA80]  }
0x1e1: {  	v32 =	vld [tilespmem:s6+$0xAD20]  }
0x1e2: {  	v36 =	vld [tilespmem:s6+$0xA020]  }
0x1e3: {  	v39 =	vld [tilespmem:s6+$0xAD30]  }
0x1e4: {  	v42 =	vld [tilespmem:s6+$0xA030]  }
0x1e5: {  	v44 =	vld [tilespmem:s6+$0xBA20]  }
0x1e6: {  	v2 =	vld.idx.msk [tilespmem:v0+s1+$0x0], $0xffff  }
0x1e7: {  	v3 =	vld.idx.msk [tilespmem:v0+s29+$0x0], $0xffff  }
0x1e8: {  	v4 =	vld.idx.msk [tilespmem:v1+s1+$0x0], $0xffff  }
0x1e9: {  	v6 =	vld.idx.msk [tilespmem:v1+s29+$0x0], $0xffff  }
0x1ea: {  	v20 =	vld.idx.msk [tilespmem:v5+s1+$0x0], $0xffff  }
0x1eb: {  	v11 =	vld.idx.msk [tilespmem:v5+s29+$0x0], $0xffff  }
0x1ec: {  	v12 =	vld.idx.msk [tilespmem:v7+s1+$0x0], $0xffff  }
0x1ed: {  	v23 =	vld.idx.msk [tilespmem:v7+s29+$0x0], $0xffff  }
0x1ee: {  	v37 =	vld.idx.msk [tilespmem:v32+s1+$0x0], $0xffff  }
0x1ef: {  	v38 =	vld.idx.msk [tilespmem:v32+s29+$0x0], $0xffff  }
0x1f0: {  	v40 =	vld.idx.msk [tilespmem:v36+s1+$0x0], $0xffff  }
0x1f1: {  	v43 =	vld.idx.msk [tilespmem:v36+s29+$0x0], $0xffff  }
0x1f2: {  	v48 =	vld.idx.msk [tilespmem:v39+s1+$0x0], $0xffff  }
0x1f3: {  	v49 =	vld.idx.msk [tilespmem:v39+s29+$0x0], $0xffff;
	v2 =	vsub.f32 v2, v4  }
0x1f4: {  	v53 =	vld.idx.msk [tilespmem:v42+s29+$0x0], $0xffff;
	v3 =	vsub.f32 v3, v6  }
0x1f5: {  	v51 =	vld.idx.msk [tilespmem:v42+s1+$0x0], $0xffff;
	v27 =	vsub.f32 v20, v12;
	[tilespmem:s6+$0x10800] =	vst v2  }
0x1f6: {  	v45 =	vld [tilespmem:s6+$0xBAA0];
	v28 =	vsub.f32 v11, v23;
	[tilespmem:s6+$0x10880] =	vst v3  }
0x1f7: {  	v46 =	vsub.f32 v37, v40;
	[tilespmem:s6+$0x10810] =	vst v27  }
0x1f8: {  	v55 =	vld [tilespmem:s6+$0xBA30];
	v47 =	vsub.f32 v38, v43;
	[tilespmem:s6+$0x10890] =	vst v28  }
0x1f9: {  	v56 =	vld [tilespmem:s6+$0xBAB0];
	v4 =	vsub.f32 v49, v53;
	v21 =	vmul.f32 v2, v8;
	v10 =	vmul.f32 v3, v9;
	[tilespmem:s6+$0x10820] =	vst v46  }
0x1fa: {  	v24 =	vld [tilespmem:s6+$0xBA10];
	v8 =	vmul.f32 v3, v8;
	v9 =	vmul.f32 v2, v9;
	[tilespmem:s6+$0x108A0] =	vst v47;
	v2 =	vsub.f32 v48, v51  }
0x1fb: {  	v25 =	vld [tilespmem:s6+$0xBA90];
	v11 =	vmul.f32 v47, v44;
	v52 =	vmul.f32 v46, v45;
	[tilespmem:s6+$0x108B0] =	vst v4;
	v6 =	vsub.f32 v21, v10  }
0x1fc: {  	v22 =	vadd.s32 $0x2800, v0;
	v8 =	vadd.f32 v8, v9;
	[tilespmem:s6+$0x10830] =	vst v2  }
0x1fd: {  	v11 =	vadd.f32 v11, v52;
	[tilespmem:s6+$0xEE00] =	vst v6  }
0x1fe: {  	v60 =	vmul.f32 v4, v56;
	v59 =	vmul.f32 v2, v55;
	[tilespmem:s6+$0xEE80] =	vst v8  }
0x1ff: {  	v33 =	vmul.f32 v28, v24;
	[tilespmem:s6+$0xEEA0] =	vst v11  }
0x200: {  	v13 =	vadd.s32 $0x2800, v1;
	v34 =	vmul.f32 v27, v25;
	v3 =	vsub.f32 v59, v60;
	[tilespmem:v0+s30+$0x0] =	vst.idx.add.f32.msk $0xffff, v6  }
0x201: {  	v26 =	vsub.f32 $0.0e+00, v6;
	[tilespmem:v22+s30+$0x0] =	vst.idx.add.f32.msk $0xffff, v8  }
0x202: {  	v30 =	vmul.f32 v27, v24;
	v31 =	vmul.f32 v28, v25;
	v0 =	vadd.f32 v33, v34;
	[tilespmem:s6+$0xEE30] =	vst v3  }
0x203: {  	v50 =	vmul.f32 v47, v45;
	v29 =	vsub.f32 $0.0e+00, v8;
	v6 =	vmul.f32 v46, v44;
	[tilespmem:v1+s30+$0x0] =	vst.idx.add.f32.msk $0xffff, v26  }
0x204: {  	v1 =	vsub.f32 v30, v31;
	[tilespmem:s6+$0xEE90] =	vst v0  }
0x205: {  	v35 =	vadd.s32 $0x2800, v5;
	v6 =	vsub.f32 v6, v50;
	[tilespmem:v13+s30+$0x0] =	vst.idx.add.f32.msk $0xffff, v29  }
0x206: {  	v54 =	vadd.s32 $0x2800, v32;
	[tilespmem:s6+$0xEE10] =	vst v1  }
0x207: {  	[tilespmem:s6+$0xEE20] =	vst v6  }
0x208: {  	[tilespmem:v5+s30+$0x0] =	vst.idx.add.f32.msk $0xffff, v1  }
0x209: {  	v41 =	vadd.s32 $0x2800, v7;
	[tilespmem:v32+s30+$0x0] =	vst.idx.add.f32.msk $0xffff, v6  }
0x20a: {  	v57 =	vadd.s32 $0x2800, v36;
	v1 =	vsub.f32 $0.0e+00, v1;
	[tilespmem:v35+s30+$0x0] =	vst.idx.add.f32.msk $0xffff, v0  }
0x20b: {  	v6 =	vsub.f32 $0.0e+00, v6;
	[tilespmem:v54+s30+$0x0] =	vst.idx.add.f32.msk $0xffff, v11  }
0x20c: {  	v61 =	vmul.f32 v4, v55;
	v0 =	vsub.f32 $0.0e+00, v0;
	[tilespmem:v7+s30+$0x0] =	vst.idx.add.f32.msk $0xffff, v1;
	v1 =	vmul.f32 v2, v56  }
0x20d: {  	v62 =	vadd.s32 $0x2800, v39;
	v58 =	vsub.f32 $0.0e+00, v11;
	[tilespmem:v36+s30+$0x0] =	vst.idx.add.f32.msk $0xffff, v6  }
0x20e: {  	[tilespmem:v41+s30+$0x0] =	vst.idx.add.f32.msk $0xffff, v0;
	v0 =	vadd.f32 v61, v1  }
0x20f: {  	p2 =	por p1, p1;
	v63 =	vadd.s32 $0x2800, v42;
	[tilespmem:v57+s30+$0x0] =	vst.idx.add.f32.msk $0xffff, v58  }
.Ltmp6:
0x210: {  	[tilespmem:s6+$0xEEB0] =	vst v0;
	(pc) =	sbr.rel @p2 .LBB2_9-.Ltmp6, $4  }
0x211: {  	[tilespmem:v39+s30+$0x0] =	vst.idx.add.f32.msk $0xffff, v3;
	v3 =	vsub.f32 $0.0e+00, v3  }
0x212: {  	[tilespmem:v62+s30+$0x0] =	vst.idx.add.f32.msk $0xffff, v0;
	v0 =	vsub.f32 $0.0e+00, v0  }
0x213: {  	[tilespmem:v42+s30+$0x0] =	vst.idx.add.f32.msk $0xffff, v3  }
0x214: {  	p1 =	por $0x0, $0x0;
	s6 =	simm.s32 $0x40;
	[tilespmem:v63+s30+$0x0] =	vst.idx.add.f32.msk $0xffff, v0  }
0x215: {  	s0 =	rddreg [dreg:$0x1a];
	s6 =	simm.s32 $0xEE00  }
0x216: {  	[hbm4b:s0+s1] =	stream.linear.scatter [tilespmem:s6], [sflag:$0x6], $0x100, $0x38;
	[tilespmem:$0x1A400] =	vst v63  }
0x217: {  	_ =	swait.ge [sflag:s4], $0x100  }
0x218: {  	s31 =	simm.s32 $0x10800;
	[sflag:s4] =	ssyncset.done $0x0  }
.Ltmp7:
0x219: {  	s28 =	rddreg [dreg:$0x1b];
	[sflag:s4] =	ssyncadd.s32 $0xFFFFFF00;
	(pc) =	sbr.rel .LBB2_11-.Ltmp7, $4  }
0x21a: {  	[hbm4b:s28+s1] =	stream.linear.scatter [tilespmem:s31], [sflag:$0x6], $0x100, $0x38;
	[tilespmem:$0x1A400] =	vst v63  }
0x21b: {  	_ =	swait.ge [sflag:s4], $0x100  }
0x21c: {  	[sflag:s4] =	ssyncset.done $0x0  }
0x21d: {  	[sflag:s4] =	ssyncadd.s32 $0xFFFFFF00  }
.LBB2_12:
0x21e: {  	_ =	sfence.sel $0x180000  }
0x21f: {  	[bflag:$0x0] =	sbarrier.arrive $0xFFFF  }
0x220: {  	_ =	strace $0x90000047  }
0x221: {  	s0 =	stileid.u32;
	[bflag:$0x2] =	sbarrier.arrive $0xFFFF  }
0x222: {  	p0 =	sne.s32 s0, $0x0;
	s0 =	rddreg [dreg:$0x7]  }
0x223: {  	s0 =	sadd.s32 @!p0 $0x100000, s0  }
0x224: {  	[sflag:s0] =	ssyncadd.tile.s32 @!p0 $0x1;
	_ =	shalt  }
.Lfunc_end2:
_tile_overlayer_lowered:
.L_overlay_start_2:
0x225: {  	(tag) =	ssettag $0x2  }
0x226: {  	s0 =	rddreg [dreg:$0x0];
	s2 =	stileid.u32  }
0x227: {  	s1 =	rddreg [dreg:$0x1];
	p0 =	sne.s32 s2, $0x0  }
0x228: {  	s3 =	rddreg [dreg:$0x2];
	[bflag:$0x3] =	sbarrier.arrive $0xFFFF;
	s2 =	simm.s32 @!p0 $0x1C06  }
0x229: {  	[timem:s3], [sflag:s2] =	dma.local @!p0 [hbm:s0], s1  }
0x22a: {  	s0 =	simm.s32 @!p0 $0x6  }
0x22b: {  	_ =	swait.ge @!p0 [sflag:s0], s1  }
0x22c: {  	s1 =	ssub.s32 @!p0 $0x0, s1;
	[sflag:s0] =	ssyncset.done @!p0 $0x0  }
0x22d: {  	[sflag:s0] =	ssyncadd.s32 @!p0 s1  }
0x22e: {  	[bflag:$0x3] =	sbarrier.arrive $0xFFFF  }
0x22f: {  	_ =	shalt  }

</sc_bundles>
